<compile_context>
chip_gen: v7x
topology: tpu7x:2x2x1
jax: 0.10.2.dev20260603
libtpu: 0.0.44.dev20260713+nightly
codegen_flags: <defaults>
</compile_context>

<pallas_src>
import functools

import jax
import jax.numpy as jnp
from jax import lax
from jax.experimental import pallas as pl
from jax.experimental.pallas import tpu as pltpu
from jax.experimental.pallas import tpu_sc as plsc

N = 10000
E = 320000
D = 128
NC = 2
NS = 16
NW = NC * NS
CH = 128
NCHUNK = -(-E // (NW * CH))
EPT = NCHUNK * CH
NCH0 = 96
NCH1 = 2 * NCHUNK - NCH0
EPT0 = NCH0 * CH
EPT1 = NCH1 * CH
EPT_MAX = max(EPT0, EPT1)
E_PAD = EPT * NW
N_PAD = 10240
NPT = N_PAD // NS
RB = 128

_sc_mesh = plsc.VectorSubcoreMesh(core_axis_name="c", subcore_axis_name="s")


def _deg_body(col_hbm, zeros_hbm, out_hbm, cidx, ones, tmp, shared):
    cid = lax.axis_index("c")
    sid = lax.axis_index("s")
    wid = sid * NC + cid
    pltpu.sync_copy(zeros_hbm.at[pl.ds(sid * NPT, NPT)], tmp)
    pltpu.sync_copy(tmp, shared.at[pl.ds(sid * NPT, NPT)])
    for i in range(CH // 16):
        ones[pl.ds(i * 16, 16)] = jnp.ones((16,), jnp.float32)
    pltpu.sync_copy(col_hbm.at[wid], cidx)
    plsc.subcore_barrier()

    def body(j, carry):
        pltpu.sync_copy(ones, shared.at[cidx.at[pl.ds(j * CH, CH)]], add=True)
        return carry

    lax.fori_loop(0, NCHUNK, body, 0)
    plsc.subcore_barrier()
    pltpu.sync_copy(shared.at[pl.ds(sid * NPT, NPT)], tmp)
    pltpu.sync_copy(tmp, out_hbm.at[cid, pl.ds(sid * NPT, NPT)])


_deg_kernel = functools.partial(
    pl.kernel,
    out_type=jax.ShapeDtypeStruct((NC, N_PAD), jnp.float32),
    mesh=_sc_mesh,
    scratch_types=[
        pltpu.VMEM((EPT,), jnp.int32),
        pltpu.VMEM((CH,), jnp.float32),
        pltpu.VMEM((NPT,), jnp.float32),
        pltpu.VMEM_SHARED((N_PAD,), jnp.float32),
    ],
)(_deg_body)


def _dis_col(dp_ref):
    pid = pl.program_id(0)
    deg_row = dp_ref[0, pid, :] + dp_ref[1, pid, :] + 1.0
    dis_row = lax.rsqrt(deg_row)
    m = (lax.broadcasted_iota(jnp.int32, (RB, RB), 0)
         == lax.broadcasted_iota(jnp.int32, (RB, RB), 1))
    return jnp.sum(jnp.where(m, dis_row[None, :], 0.0), axis=1,
                   keepdims=True)


def _mm_body(x_ref, w_ref, dp_ref, g_ref):
    h = jnp.dot(x_ref[...], w_ref[...], preferred_element_type=jnp.float32)
    g_ref[...] = h * _dis_col(dp_ref)


_mm_kernel = pl.pallas_call(
    _mm_body,
    grid=(N_PAD // RB,),
    in_specs=[
        pl.BlockSpec((RB, D), lambda i: (i, 0)),
        pl.BlockSpec((D, D), lambda i: (0, 0)),
        pl.BlockSpec((2, N_PAD // 128, 128), lambda i: (0, 0, 0)),
    ],
    out_specs=pl.BlockSpec((RB, D), lambda i: (i, 0)),
    out_shape=jax.ShapeDtypeStruct((N_PAD, D), jnp.float32),
)


def _agg_body(row_hbm, col_hbm, g_hbm, zeros_hbm, out_hbm,
              ridx, cidx, rows, acc):
    cid = lax.axis_index("c")
    sid = lax.axis_index("s")

    ept = lax.select(cid == 0, EPT0, EPT1)
    nch = lax.select(cid == 0, NCH0, NCH1)
    off = cid * (NS * EPT0) + sid * ept

    pltpu.sync_copy(zeros_hbm.at[pl.ds(sid * NPT, NPT)],
                    acc.at[pl.ds(sid * NPT, NPT)])
    pltpu.sync_copy(row_hbm.at[pl.ds(off, EPT_MAX)], ridx)
    pltpu.sync_copy(col_hbm.at[pl.ds(off, EPT_MAX)], cidx)
    plsc.subcore_barrier()

    def body(j, carry):
        pltpu.sync_copy(g_hbm.at[ridx.at[pl.ds(j * CH, CH)]], rows)
        pltpu.sync_copy(rows, acc.at[cidx.at[pl.ds(j * CH, CH)]], add=True)
        return carry

    lax.fori_loop(0, nch, body, 0)
    plsc.subcore_barrier()

    pltpu.sync_copy(acc.at[pl.ds(sid * NPT, NPT)],
                    out_hbm.at[cid, pl.ds(sid * NPT, NPT)])


_agg_kernel = functools.partial(
    pl.kernel,
    out_type=jax.ShapeDtypeStruct((NC, N_PAD, D), jnp.float32),
    mesh=_sc_mesh,
    scratch_types=[
        pltpu.VMEM((EPT_MAX,), jnp.int32),
        pltpu.VMEM((EPT_MAX,), jnp.int32),
        pltpu.VMEM((CH, D), jnp.float32),
        pltpu.VMEM_SHARED((N_PAD, D), jnp.float32),
    ],
)(_agg_body)


def _epi_body(a_ref, dp_ref, g_ref, b_ref, out_ref):
    s = a_ref[0] + a_ref[1] + g_ref[...]
    out_ref[...] = jnp.maximum(s * _dis_col(dp_ref) + b_ref[...], 0.0)


_epi_kernel = pl.pallas_call(
    _epi_body,
    grid=(N_PAD // RB,),
    in_specs=[
        pl.BlockSpec((2, RB, D), lambda i: (0, i, 0)),
        pl.BlockSpec((2, N_PAD // 128, 128), lambda i: (0, 0, 0)),
        pl.BlockSpec((RB, D), lambda i: (i, 0)),
        pl.BlockSpec((1, D), lambda i: (0, 0)),
    ],
    out_specs=pl.BlockSpec((RB, D), lambda i: (i, 0)),
    out_shape=jax.ShapeDtypeStruct((N_PAD, D), jnp.float32),
)


def kernel(node_feature, edge_index, W, b):
    row = edge_index[0]
    col = edge_index[1]
    pad_e = E_PAD - E
    rowf = jnp.concatenate([row, jnp.zeros((pad_e,), jnp.int32)])
    colf = jnp.concatenate([col, jnp.full((pad_e,), N, jnp.int32)])
    col3 = colf.reshape(NW, EPT)
    x_pad = jnp.pad(node_feature, ((0, N_PAD - N), (0, 0)))
    zeros1 = jnp.zeros((N_PAD,), jnp.float32)
    zeros2 = jnp.zeros((N_PAD, D), jnp.float32)

    dp = _deg_kernel(col3, zeros1)
    dp3 = dp.reshape(2, N_PAD // 128, 128)
    g = _mm_kernel(x_pad, W, dp3)
    a = _agg_kernel(rowf, colf, g, zeros2)
    out = _epi_kernel(a, dp3, g, b.reshape(1, D))
    return out[:N]

# --- scband reference (transcript-rebuilt; emitter-appended) ---
"""Pipeline reference for scband-gcn-1layer-89472758710373 (READ-ONLY COPY).

The authoritative reference and input builder live on the scoring server;
editing this copy changes nothing except your own understanding.
"""

import jax, jax.numpy as jnp
import numpy as np

N_NODES = 10000
N_EDGES = 320000
D_IN = 128
D_OUT = 128


def setup_inputs(seed: int = 0) -> dict:
    key = jax.random.key(seed)
    k1, k2, k3 = jax.random.split(key, 3)
    node_feature = jax.random.normal(k1, (N_NODES, D_IN), dtype=jnp.float32)
    edge_index = jax.random.randint(k2, (2, N_EDGES), 0, N_NODES, dtype=jnp.int32)
    W = jax.random.normal(k3, (D_IN, D_OUT), dtype=jnp.float32) * 0.05
    b = jnp.zeros((D_OUT,), dtype=jnp.float32)
    return {"node_feature": node_feature, "edge_index": edge_index, "W": W, "b": b}


def _gcn_conv(x, edge_index, W, b):
    # PyG GCNConv with normalize=True, add_self_loops=True, default flow source_to_target
    n = x.shape[0]
    self_loops = jnp.arange(n, dtype=edge_index.dtype)
    row = jnp.concatenate([edge_index[0], self_loops])  # source
    col = jnp.concatenate([edge_index[1], self_loops])  # target
    edge_weight = jnp.ones(row.shape[0], dtype=x.dtype)
    deg = jnp.zeros(n, dtype=x.dtype).at[col].add(edge_weight)
    deg_inv_sqrt = jnp.where(deg > 0, 1.0 / jnp.sqrt(deg), 0.0)
    norm = deg_inv_sqrt[row] * edge_weight * deg_inv_sqrt[col]
    h = x @ W  # linear transform (no bias inside lin)
    msg = h[row] * norm[:, None]  # gather + scale
    out = jnp.zeros((n, h.shape[1]), dtype=h.dtype).at[col].add(msg)  # scatter-add
    return out + b


def reference(node_feature, edge_index, W, b):
    out = _gcn_conv(node_feature, edge_index, W, b)
    return jax.nn.relu(out)

if __name__ == "__main__":
    import jax
    _d = setup_inputs()
    print(jax.jit(kernel)(*tuple(_d.values())))

</pallas_src>

<mosaic_0001>
#map = affine_map<(d0, d1) -> (0)>
#map1 = affine_map<(d0, d1) -> (0, 0)>
#map2 = affine_map<(d0, d1) -> (0, 0, 0)>
module attributes {stable_mosaic.version = 14 : i64} {
  func.func @_agg_body(%arg0: i32, %arg1: i32, %arg2: memref<323584xi32, #tpu.memory_space<hbm>>, %arg3: memref<323584xi32, #tpu.memory_space<hbm>>, %arg4: memref<10240x128xf32, #tpu.memory_space<hbm>>, %arg5: memref<10240x128xf32, #tpu.memory_space<hbm>>, %arg6: memref<2x10240x128xf32, #tpu.memory_space<hbm>>, %arg7: memref<12288xi32, #tpu.memory_space<vmem>>, %arg8: memref<12288xi32, #tpu.memory_space<vmem>>, %arg9: memref<128x128xf32, #tpu.memory_space<vmem>>, %arg10: memref<10240x128xf32, #tpu.memory_space<vmem_shared>>) attributes {dimension_semantics = [#tpu.dimension_semantics<core_parallel>, #tpu.dimension_semantics<subcore_parallel>], iteration_bounds = array<i64: 2, 16>, scalar_prefetch = 0 : i64, scratch_operands = 4 : i64, tpu.core_type = #tpu.core_type<sc_vector_subcore>, window_params = [{transform_indices = #map}, {transform_indices = #map}, {transform_indices = #map1}, {transform_indices = #map1}, {transform_indices = #map2}]} {
    %eq3A = arith.constant 0 : i32
    %eq3A_0 = arith.cmpi eq, %arg0, %eq3A : i32
    %select_n3A = arith.constant 7936 : i32
    %select_n3A_1 = arith.constant 12288 : i32
    %select_n3A_2 = arith.select %eq3A_0, %select_n3A_1, %select_n3A : i32
    %eq3A_3 = arith.constant 0 : i32
    %eq3A_4 = arith.cmpi eq, %arg0, %eq3A_3 : i32
    %select_n3A_5 = arith.constant 62 : i32
    %select_n3A_6 = arith.constant 96 : i32
    %select_n3A_7 = arith.select %eq3A_4, %select_n3A_6, %select_n3A_5 : i32
    %mul3A = arith.constant 196608 : i32
    %mul3A_8 = arith.muli %arg0, %mul3A : i32
    %mul3A_9 = arith.muli %arg1, %select_n3A_2 : i32
    %add3A = arith.addi %mul3A_8, %mul3A_9 : i32
    %mul3A_10 = arith.constant 640 : i32
    %mul3A_11 = arith.muli %arg1, %mul3A_10 : i32
    %mul3A_12 = arith.constant 640 : i32
    %mul3A_13 = arith.muli %arg1, %mul3A_12 : i32
    "tpu.region"() ({
      %run_scoped3A = tpu.sem_alloc : memref<!tpu.dma_semaphore, #tpu.memory_space<semaphore_mem>>
      %dma_start3A = arith.constant 0 : i32
      %dma_start3A_28 = tpu.memref_slice %arg10[%mul3A_13, %dma_start3A] : memref<10240x128xf32, #tpu.memory_space<vmem_shared>> -> memref<640x128xf32, #tpu.memory_space<vmem_shared>>
      %dma_start3A_29 = arith.constant 0 : i32
      %dma_start3A_30 = tpu.memref_slice %arg5[%mul3A_11, %dma_start3A_29] : memref<10240x128xf32, #tpu.memory_space<hbm>> -> memref<640x128xf32, #tpu.memory_space<hbm>>
      tpu.enqueue_dma source(%dma_start3A_30 : memref<640x128xf32, #tpu.memory_space<hbm>>) target(%dma_start3A_28 : memref<640x128xf32, #tpu.memory_space<vmem_shared>>) target_semaphore(%run_scoped3A : memref<!tpu.dma_semaphore, #tpu.memory_space<semaphore_mem>>)
      %dma_wait3A = arith.constant 0 : i32
      %dma_wait3A_31 = tpu.memref_slice %arg10[%mul3A_13, %dma_wait3A] : memref<10240x128xf32, #tpu.memory_space<vmem_shared>> -> memref<640x128xf32, #tpu.memory_space<vmem_shared>>
      %dma_wait3A_32 = arith.constant 0 : i32
      %dma_wait3A_33 = tpu.memref_slice %arg5[%mul3A_11, %dma_wait3A_32] : memref<10240x128xf32, #tpu.memory_space<hbm>> -> memref<640x128xf32, #tpu.memory_space<hbm>>
      tpu.wait_dma2 semaphore(%run_scoped3A : memref<!tpu.dma_semaphore, #tpu.memory_space<semaphore_mem>>) src(%dma_wait3A_33 : memref<640x128xf32, #tpu.memory_space<hbm>>) dst(%dma_wait3A_31 : memref<640x128xf32, #tpu.memory_space<vmem_shared>>)
      tpu.yield
    }) : () -> ()
    "tpu.region"() ({
      %run_scoped3A = tpu.sem_alloc : memref<!tpu.dma_semaphore, #tpu.memory_space<semaphore_mem>>
      %dma_start3A = tpu.memref_slice %arg2[%add3A] : memref<323584xi32, #tpu.memory_space<hbm>> -> memref<12288xi32, #tpu.memory_space<hbm>>
      %dma_start3A_28 = tpu.memref_slice %arg2[%add3A] : memref<323584xi32, #tpu.memory_space<hbm>> -> memref<12288xi32, #tpu.memory_space<hbm>>
      tpu.enqueue_dma source(%dma_start3A_28 : memref<12288xi32, #tpu.memory_space<hbm>>) target(%arg7 : memref<12288xi32, #tpu.memory_space<vmem>>) target_semaphore(%run_scoped3A : memref<!tpu.dma_semaphore, #tpu.memory_space<semaphore_mem>>)
      %dma_wait3A = tpu.memref_slice %arg2[%add3A] : memref<323584xi32, #tpu.memory_space<hbm>> -> memref<12288xi32, #tpu.memory_space<hbm>>
      %dma_wait3A_29 = tpu.memref_slice %arg2[%add3A] : memref<323584xi32, #tpu.memory_space<hbm>> -> memref<12288xi32, #tpu.memory_space<hbm>>
      tpu.wait_dma2 semaphore(%run_scoped3A : memref<!tpu.dma_semaphore, #tpu.memory_space<semaphore_mem>>) src(%dma_wait3A_29 : memref<12288xi32, #tpu.memory_space<hbm>>) dst(%arg7 : memref<12288xi32, #tpu.memory_space<vmem>>)
      tpu.yield
    }) : () -> ()
    "tpu.region"() ({
      %run_scoped3A = tpu.sem_alloc : memref<!tpu.dma_semaphore, #tpu.memory_space<semaphore_mem>>
      %dma_start3A = tpu.memref_slice %arg3[%add3A] : memref<323584xi32, #tpu.memory_space<hbm>> -> memref<12288xi32, #tpu.memory_space<hbm>>
      %dma_start3A_28 = tpu.memref_slice %arg3[%add3A] : memref<323584xi32, #tpu.memory_space<hbm>> -> memref<12288xi32, #tpu.memory_space<hbm>>
      tpu.enqueue_dma source(%dma_start3A_28 : memref<12288xi32, #tpu.memory_space<hbm>>) target(%arg8 : memref<12288xi32, #tpu.memory_space<vmem>>) target_semaphore(%run_scoped3A : memref<!tpu.dma_semaphore, #tpu.memory_space<semaphore_mem>>)
      %dma_wait3A = tpu.memref_slice %arg3[%add3A] : memref<323584xi32, #tpu.memory_space<hbm>> -> memref<12288xi32, #tpu.memory_space<hbm>>
      %dma_wait3A_29 = tpu.memref_slice %arg3[%add3A] : memref<323584xi32, #tpu.memory_space<hbm>> -> memref<12288xi32, #tpu.memory_space<hbm>>
      tpu.wait_dma2 semaphore(%run_scoped3A : memref<!tpu.dma_semaphore, #tpu.memory_space<semaphore_mem>>) src(%dma_wait3A_29 : memref<12288xi32, #tpu.memory_space<hbm>>) dst(%arg8 : memref<12288xi32, #tpu.memory_space<vmem>>)
      tpu.yield
    }) : () -> ()
    %barrier3A = arith.constant 0 : index
    tpu.barrier barrier_id(%barrier3A)
    %while3A = arith.constant 0 : i32
    %while3A_14 = arith.constant 0 : i32
    %while3A_15 = arith.subi %select_n3A_7, %while3A_14 : i32
    %while3A_16 = arith.addi %while3A_14, %while3A_15 : i32
    %while3A_17 = arith.constant 1 : i32
    %while3A_18 = arith.divsi %while3A_15, %while3A_17 : i32
    %while3A_19 = arith.muli %while3A_18, %while3A_17 : i32
    %while3A_20 = arith.addi %while3A_14, %while3A_19 : i32
    %while3A_21 = arith.constant 1 : i32
    scf.for %while3A_28 = %while3A_14 to %while3A_20 step %while3A_21  : i32 {
      %mul3A_29 = arith.constant 128 : i32
      %mul3A_30 = arith.muli %while3A_28, %mul3A_29 : i32
      "tpu.region"() ({
        %run_scoped3A = tpu.sem_alloc : memref<!tpu.dma_semaphore, #tpu.memory_space<semaphore_mem>>
        %dma_start3A = tpu.memref_slice %arg7[%mul3A_30] : memref<12288xi32, #tpu.memory_space<vmem>> -> memref<128xi32, #tpu.memory_space<vmem>>
        %dma_start3A_33 = arith.constant 0 : i32
        %dma_start3A_34 = arith.constant 0 : i32
        %dma_start3A_35 = tpu.memref_slice %arg4[%dma_start3A_33, %dma_start3A_34] : memref<10240x128xf32, #tpu.memory_space<hbm>> -> memref<10240x128xf32, #tpu.memory_space<hbm>>
        tpu.enqueue_indirect_dma source(%dma_start3A_35 : memref<10240x128xf32, #tpu.memory_space<hbm>>) target(%arg9 : memref<128x128xf32, #tpu.memory_space<vmem>>) offsets(%dma_start3A : memref<128xi32, #tpu.memory_space<vmem>>) semaphore(%run_scoped3A : memref<!tpu.dma_semaphore, #tpu.memory_space<semaphore_mem>>)
        %dma_wait3A = tpu.memref_slice %arg7[%mul3A_30] : memref<12288xi32, #tpu.memory_space<vmem>> -> memref<128xi32, #tpu.memory_space<vmem>>
        %dma_wait3A_36 = arith.constant 0 : i32
        %dma_wait3A_37 = arith.constant 0 : i32
        %dma_wait3A_38 = tpu.memref_slice %arg4[%dma_wait3A_36, %dma_wait3A_37] : memref<10240x128xf32, #tpu.memory_space<hbm>> -> memref<10240x128xf32, #tpu.memory_space<hbm>>
        tpu.wait_indirect_dma semaphore(%run_scoped3A : memref<!tpu.dma_semaphore, #tpu.memory_space<semaphore_mem>>) src(%dma_wait3A_38 : memref<10240x128xf32, #tpu.memory_space<hbm>>) dst(%arg9 : memref<128x128xf32, #tpu.memory_space<vmem>>)
        tpu.yield
      }) : () -> ()
      %mul3A_31 = arith.constant 128 : i32
      %mul3A_32 = arith.muli %while3A_28, %mul3A_31 : i32
      "tpu.region"() ({
        %run_scoped3A = tpu.sem_alloc : memref<!tpu.dma_semaphore, #tpu.memory_space<semaphore_mem>>
        %dma_start3A = tpu.memref_slice %arg8[%mul3A_32] : memref<12288xi32, #tpu.memory_space<vmem>> -> memref<128xi32, #tpu.memory_space<vmem>>
        %dma_start3A_33 = arith.constant 0 : i32
        %dma_start3A_34 = arith.constant 0 : i32
        %dma_start3A_35 = tpu.memref_slice %arg10[%dma_start3A_33, %dma_start3A_34] : memref<10240x128xf32, #tpu.memory_space<vmem_shared>> -> memref<10240x128xf32, #tpu.memory_space<vmem_shared>>
        tpu.enqueue_indirect_dma source(%arg9 : memref<128x128xf32, #tpu.memory_space<vmem>>) target(%dma_start3A_35 : memref<10240x128xf32, #tpu.memory_space<vmem_shared>>) offsets(%dma_start3A : memref<128xi32, #tpu.memory_space<vmem>>) semaphore(%run_scoped3A : memref<!tpu.dma_semaphore, #tpu.memory_space<semaphore_mem>>) {add = true}
        %dma_wait3A = tpu.memref_slice %arg8[%mul3A_32] : memref<12288xi32, #tpu.memory_space<vmem>> -> memref<128xi32, #tpu.memory_space<vmem>>
        %dma_wait3A_36 = arith.constant 0 : i32
        %dma_wait3A_37 = arith.constant 0 : i32
        %dma_wait3A_38 = tpu.memref_slice %arg10[%dma_wait3A_36, %dma_wait3A_37] : memref<10240x128xf32, #tpu.memory_space<vmem_shared>> -> memref<10240x128xf32, #tpu.memory_space<vmem_shared>>
        tpu.wait_indirect_dma semaphore(%run_scoped3A : memref<!tpu.dma_semaphore, #tpu.memory_space<semaphore_mem>>) src(%arg9 : memref<128x128xf32, #tpu.memory_space<vmem>>) dst(%dma_wait3A_38 : memref<10240x128xf32, #tpu.memory_space<vmem_shared>>)
        tpu.yield
      }) : () -> ()
    }
    %while3A_22 = arith.constant 1 : i32
    scf.for %while3A_28 = %while3A_20 to %while3A_16 step %while3A_22  : i32 {
      %mul3A_29 = arith.constant 128 : i32
      %mul3A_30 = arith.muli %while3A_28, %mul3A_29 : i32
      "tpu.region"() ({
        %run_scoped3A = tpu.sem_alloc : memref<!tpu.dma_semaphore, #tpu.memory_space<semaphore_mem>>
        %dma_start3A = tpu.memref_slice %arg7[%mul3A_30] : memref<12288xi32, #tpu.memory_space<vmem>> -> memref<128xi32, #tpu.memory_space<vmem>>
        %dma_start3A_33 = arith.constant 0 : i32
        %dma_start3A_34 = arith.constant 0 : i32
        %dma_start3A_35 = tpu.memref_slice %arg4[%dma_start3A_33, %dma_start3A_34] : memref<10240x128xf32, #tpu.memory_space<hbm>> -> memref<10240x128xf32, #tpu.memory_space<hbm>>
        tpu.enqueue_indirect_dma source(%dma_start3A_35 : memref<10240x128xf32, #tpu.memory_space<hbm>>) target(%arg9 : memref<128x128xf32, #tpu.memory_space<vmem>>) offsets(%dma_start3A : memref<128xi32, #tpu.memory_space<vmem>>) semaphore(%run_scoped3A : memref<!tpu.dma_semaphore, #tpu.memory_space<semaphore_mem>>)
        %dma_wait3A = tpu.memref_slice %arg7[%mul3A_30] : memref<12288xi32, #tpu.memory_space<vmem>> -> memref<128xi32, #tpu.memory_space<vmem>>
        %dma_wait3A_36 = arith.constant 0 : i32
        %dma_wait3A_37 = arith.constant 0 : i32
        %dma_wait3A_38 = tpu.memref_slice %arg4[%dma_wait3A_36, %dma_wait3A_37] : memref<10240x128xf32, #tpu.memory_space<hbm>> -> memref<10240x128xf32, #tpu.memory_space<hbm>>
        tpu.wait_indirect_dma semaphore(%run_scoped3A : memref<!tpu.dma_semaphore, #tpu.memory_space<semaphore_mem>>) src(%dma_wait3A_38 : memref<10240x128xf32, #tpu.memory_space<hbm>>) dst(%arg9 : memref<128x128xf32, #tpu.memory_space<vmem>>)
        tpu.yield
      }) : () -> ()
      %mul3A_31 = arith.constant 128 : i32
      %mul3A_32 = arith.muli %while3A_28, %mul3A_31 : i32
      "tpu.region"() ({
        %run_scoped3A = tpu.sem_alloc : memref<!tpu.dma_semaphore, #tpu.memory_space<semaphore_mem>>
        %dma_start3A = tpu.memref_slice %arg8[%mul3A_32] : memref<12288xi32, #tpu.memory_space<vmem>> -> memref<128xi32, #tpu.memory_space<vmem>>
        %dma_start3A_33 = arith.constant 0 : i32
        %dma_start3A_34 = arith.constant 0 : i32
        %dma_start3A_35 = tpu.memref_slice %arg10[%dma_start3A_33, %dma_start3A_34] : memref<10240x128xf32, #tpu.memory_space<vmem_shared>> -> memref<10240x128xf32, #tpu.memory_space<vmem_shared>>
        tpu.enqueue_indirect_dma source(%arg9 : memref<128x128xf32, #tpu.memory_space<vmem>>) target(%dma_start3A_35 : memref<10240x128xf32, #tpu.memory_space<vmem_shared>>) offsets(%dma_start3A : memref<128xi32, #tpu.memory_space<vmem>>) semaphore(%run_scoped3A : memref<!tpu.dma_semaphore, #tpu.memory_space<semaphore_mem>>) {add = true}
        %dma_wait3A = tpu.memref_slice %arg8[%mul3A_32] : memref<12288xi32, #tpu.memory_space<vmem>> -> memref<128xi32, #tpu.memory_space<vmem>>
        %dma_wait3A_36 = arith.constant 0 : i32
        %dma_wait3A_37 = arith.constant 0 : i32
        %dma_wait3A_38 = tpu.memref_slice %arg10[%dma_wait3A_36, %dma_wait3A_37] : memref<10240x128xf32, #tpu.memory_space<vmem_shared>> -> memref<10240x128xf32, #tpu.memory_space<vmem_shared>>
        tpu.wait_indirect_dma semaphore(%run_scoped3A : memref<!tpu.dma_semaphore, #tpu.memory_space<semaphore_mem>>) src(%arg9 : memref<128x128xf32, #tpu.memory_space<vmem>>) dst(%dma_wait3A_38 : memref<10240x128xf32, #tpu.memory_space<vmem_shared>>)
        tpu.yield
      }) : () -> ()
    }
    %barrier3A_23 = arith.constant 0 : index
    tpu.barrier barrier_id(%barrier3A_23)
    %mul3A_24 = arith.constant 640 : i32
    %mul3A_25 = arith.muli %arg1, %mul3A_24 : i32
    %mul3A_26 = arith.constant 640 : i32
    %mul3A_27 = arith.muli %arg1, %mul3A_26 : i32
    "tpu.region"() ({
      %run_scoped3A = tpu.sem_alloc : memref<!tpu.dma_semaphore, #tpu.memory_space<semaphore_mem>>
      %dma_start3A = arith.constant 0 : i32
      %dma_start3A_28 = tpu.memref_slice %arg6[%arg0, %mul3A_27, %dma_start3A] : memref<2x10240x128xf32, #tpu.memory_space<hbm>> -> memref<1x640x128xf32, #tpu.memory_space<hbm>>
      %dma_start3A_29 = tpu.memref_squeeze %dma_start3A_28 : memref<1x640x128xf32, #tpu.memory_space<hbm>> -> memref<640x128xf32, #tpu.memory_space<hbm>>
      %dma_start3A_30 = arith.constant 0 : i32
      %dma_start3A_31 = tpu.memref_slice %arg10[%mul3A_25, %dma_start3A_30] : memref<10240x128xf32, #tpu.memory_space<vmem_shared>> -> memref<640x128xf32, #tpu.memory_space<vmem_shared>>
      tpu.enqueue_dma source(%dma_start3A_31 : memref<640x128xf32, #tpu.memory_space<vmem_shared>>) target(%dma_start3A_29 : memref<640x128xf32, #tpu.memory_space<hbm>>) target_semaphore(%run_scoped3A : memref<!tpu.dma_semaphore, #tpu.memory_space<semaphore_mem>>)
      %dma_wait3A = arith.constant 0 : i32
      %dma_wait3A_32 = tpu.memref_slice %arg6[%arg0, %mul3A_27, %dma_wait3A] : memref<2x10240x128xf32, #tpu.memory_space<hbm>> -> memref<1x640x128xf32, #tpu.memory_space<hbm>>
      %dma_wait3A_33 = tpu.memref_squeeze %dma_wait3A_32 : memref<1x640x128xf32, #tpu.memory_space<hbm>> -> memref<640x128xf32, #tpu.memory_space<hbm>>
      %dma_wait3A_34 = arith.constant 0 : i32
      %dma_wait3A_35 = tpu.memref_slice %arg10[%mul3A_25, %dma_wait3A_34] : memref<10240x128xf32, #tpu.memory_space<vmem_shared>> -> memref<640x128xf32, #tpu.memory_space<vmem_shared>>
      tpu.wait_dma2 semaphore(%run_scoped3A : memref<!tpu.dma_semaphore, #tpu.memory_space<semaphore_mem>>) src(%dma_wait3A_35 : memref<640x128xf32, #tpu.memory_space<vmem_shared>>) dst(%dma_wait3A_33 : memref<640x128xf32, #tpu.memory_space<hbm>>)
      tpu.yield
    }) : () -> ()
    return
  }
}

#map = affine_map<(d0, d1) -> (0, 0)>
#map1 = affine_map<(d0, d1) -> (0)>
module attributes {stable_mosaic.version = 14 : i64} {
  func.func @_deg_body(%arg0: i32, %arg1: i32, %arg2: memref<32x10112xi32, #tpu.memory_space<hbm>>, %arg3: memref<10240xf32, #tpu.memory_space<hbm>>, %arg4: memref<2x10240xf32, #tpu.memory_space<hbm>>, %arg5: memref<10112xi32, #tpu.memory_space<vmem>>, %arg6: memref<128xf32, #tpu.memory_space<vmem>>, %arg7: memref<640xf32, #tpu.memory_space<vmem>>, %arg8: memref<10240xf32, #tpu.memory_space<vmem_shared>>) attributes {dimension_semantics = [#tpu.dimension_semantics<core_parallel>, #tpu.dimension_semantics<subcore_parallel>], iteration_bounds = array<i64: 2, 16>, scalar_prefetch = 0 : i64, scratch_operands = 4 : i64, tpu.core_type = #tpu.core_type<sc_vector_subcore>, window_params = [{transform_indices = #map}, {transform_indices = #map1}, {transform_indices = #map}]} {
    %mul3A = arith.constant 2 : i32
    %mul3A_0 = arith.muli %arg1, %mul3A : i32
    %add3A = arith.addi %mul3A_0, %arg0 : i32
    %mul3A_1 = arith.constant 640 : i32
    %mul3A_2 = arith.muli %arg1, %mul3A_1 : i32
    "tpu.region"() ({
      %run_scoped3A = tpu.sem_alloc : memref<!tpu.dma_semaphore, #tpu.memory_space<semaphore_mem>>
      %dma_start3A = tpu.memref_slice %arg3[%mul3A_2] : memref<10240xf32, #tpu.memory_space<hbm>> -> memref<640xf32, #tpu.memory_space<hbm>>
      %dma_start3A_61 = tpu.memref_slice %arg3[%mul3A_2] : memref<10240xf32, #tpu.memory_space<hbm>> -> memref<640xf32, #tpu.memory_space<hbm>>
      tpu.enqueue_dma source(%dma_start3A_61 : memref<640xf32, #tpu.memory_space<hbm>>) target(%arg7 : memref<640xf32, #tpu.memory_space<vmem>>) target_semaphore(%run_scoped3A : memref<!tpu.dma_semaphore, #tpu.memory_space<semaphore_mem>>)
      %dma_wait3A = tpu.memref_slice %arg3[%mul3A_2] : memref<10240xf32, #tpu.memory_space<hbm>> -> memref<640xf32, #tpu.memory_space<hbm>>
      %dma_wait3A_62 = tpu.memref_slice %arg3[%mul3A_2] : memref<10240xf32, #tpu.memory_space<hbm>> -> memref<640xf32, #tpu.memory_space<hbm>>
      tpu.wait_dma2 semaphore(%run_scoped3A : memref<!tpu.dma_semaphore, #tpu.memory_space<semaphore_mem>>) src(%dma_wait3A_62 : memref<640xf32, #tpu.memory_space<hbm>>) dst(%arg7 : memref<640xf32, #tpu.memory_space<vmem>>)
      tpu.yield
    }) : () -> ()
    %mul3A_3 = arith.constant 640 : i32
    %mul3A_4 = arith.muli %arg1, %mul3A_3 : i32
    "tpu.region"() ({
      %run_scoped3A = tpu.sem_alloc : memref<!tpu.dma_semaphore, #tpu.memory_space<semaphore_mem>>
      %dma_start3A = tpu.memref_slice %arg8[%mul3A_4] : memref<10240xf32, #tpu.memory_space<vmem_shared>> -> memref<640xf32, #tpu.memory_space<vmem_shared>>
      %dma_start3A_61 = tpu.memref_slice %arg8[%mul3A_4] : memref<10240xf32, #tpu.memory_space<vmem_shared>> -> memref<640xf32, #tpu.memory_space<vmem_shared>>
      tpu.enqueue_dma source(%arg7 : memref<640xf32, #tpu.memory_space<vmem>>) target(%dma_start3A_61 : memref<640xf32, #tpu.memory_space<vmem_shared>>) target_semaphore(%run_scoped3A : memref<!tpu.dma_semaphore, #tpu.memory_space<semaphore_mem>>)
      %dma_wait3A = tpu.memref_slice %arg8[%mul3A_4] : memref<10240xf32, #tpu.memory_space<vmem_shared>> -> memref<640xf32, #tpu.memory_space<vmem_shared>>
      %dma_wait3A_62 = tpu.memref_slice %arg8[%mul3A_4] : memref<10240xf32, #tpu.memory_space<vmem_shared>> -> memref<640xf32, #tpu.memory_space<vmem_shared>>
      tpu.wait_dma2 semaphore(%run_scoped3A : memref<!tpu.dma_semaphore, #tpu.memory_space<semaphore_mem>>) src(%arg7 : memref<640xf32, #tpu.memory_space<vmem>>) dst(%dma_wait3A_62 : memref<640xf32, #tpu.memory_space<vmem_shared>>)
      tpu.yield
    }) : () -> ()
    %broadcast_in_dim3A = arith.constant 1.000000e+00 : f32
    %broadcast_in_dim3A_5 = vector.broadcast %broadcast_in_dim3A : f32 to vector<16xf32>
    %swap3A = arith.constant 0 : index
    %swap3A_6 = tpu.vector_load %arg6[%swap3A] {strides = array<i32>} : memref<128xf32, #tpu.memory_space<vmem>>, vector<16xf32>,
    %swap3A_7 = vector.shape_cast %swap3A_6 : vector<16xf32> to vector<16xf32>
    %swap3A_8 = vector.shape_cast %broadcast_in_dim3A_5 : vector<16xf32> to vector<16xf32>
    tpu.vector_store %arg6[%swap3A], %swap3A_8 {strides = array<i32>} : memref<128xf32, #tpu.memory_space<vmem>>, vector<16xf32>,
    %broadcast_in_dim3A_9 = arith.constant 1.000000e+00 : f32
    %broadcast_in_dim3A_10 = vector.broadcast %broadcast_in_dim3A_9 : f32 to vector<16xf32>
    %swap3A_11 = arith.constant 16 : index
    %swap3A_12 = tpu.vector_load %arg6[%swap3A_11] {strides = array<i32>} : memref<128xf32, #tpu.memory_space<vmem>>, vector<16xf32>,
    %swap3A_13 = vector.shape_cast %swap3A_12 : vector<16xf32> to vector<16xf32>
    %swap3A_14 = vector.shape_cast %broadcast_in_dim3A_10 : vector<16xf32> to vector<16xf32>
    tpu.vector_store %arg6[%swap3A_11], %swap3A_14 {strides = array<i32>} : memref<128xf32, #tpu.memory_space<vmem>>, vector<16xf32>,
    %broadcast_in_dim3A_15 = arith.constant 1.000000e+00 : f32
    %broadcast_in_dim3A_16 = vector.broadcast %broadcast_in_dim3A_15 : f32 to vector<16xf32>
    %swap3A_17 = arith.constant 32 : index
    %swap3A_18 = tpu.vector_load %arg6[%swap3A_17] {strides = array<i32>} : memref<128xf32, #tpu.memory_space<vmem>>, vector<16xf32>,
    %swap3A_19 = vector.shape_cast %swap3A_18 : vector<16xf32> to vector<16xf32>
    %swap3A_20 = vector.shape_cast %broadcast_in_dim3A_16 : vector<16xf32> to vector<16xf32>
    tpu.vector_store %arg6[%swap3A_17], %swap3A_20 {strides = array<i32>} : memref<128xf32, #tpu.memory_space<vmem>>, vector<16xf32>,
    %broadcast_in_dim3A_21 = arith.constant 1.000000e+00 : f32
    %broadcast_in_dim3A_22 = vector.broadcast %broadcast_in_dim3A_21 : f32 to vector<16xf32>
    %swap3A_23 = arith.constant 48 : index
    %swap3A_24 = tpu.vector_load %arg6[%swap3A_23] {strides = array<i32>} : memref<128xf32, #tpu.memory_space<vmem>>, vector<16xf32>,
    %swap3A_25 = vector.shape_cast %swap3A_24 : vector<16xf32> to vector<16xf32>
    %swap3A_26 = vector.shape_cast %broadcast_in_dim3A_22 : vector<16xf32> to vector<16xf32>
    tpu.vector_store %arg6[%swap3A_23], %swap3A_26 {strides = array<i32>} : memref<128xf32, #tpu.memory_space<vmem>>, vector<16xf32>,
    %broadcast_in_dim3A_27 = arith.constant 1.000000e+00 : f32
    %broadcast_in_dim3A_28 = vector.broadcast %broadcast_in_dim3A_27 : f32 to vector<16xf32>
    %swap3A_29 = arith.constant 64 : index
    %swap3A_30 = tpu.vector_load %arg6[%swap3A_29] {strides = array<i32>} : memref<128xf32, #tpu.memory_space<vmem>>, vector<16xf32>,
    %swap3A_31 = vector.shape_cast %swap3A_30 : vector<16xf32> to vector<16xf32>
    %swap3A_32 = vector.shape_cast %broadcast_in_dim3A_28 : vector<16xf32> to vector<16xf32>
    tpu.vector_store %arg6[%swap3A_29], %swap3A_32 {strides = array<i32>} : memref<128xf32, #tpu.memory_space<vmem>>, vector<16xf32>,
    %broadcast_in_dim3A_33 = arith.constant 1.000000e+00 : f32
    %broadcast_in_dim3A_34 = vector.broadcast %broadcast_in_dim3A_33 : f32 to vector<16xf32>
    %swap3A_35 = arith.constant 80 : index
    %swap3A_36 = tpu.vector_load %arg6[%swap3A_35] {strides = array<i32>} : memref<128xf32, #tpu.memory_space<vmem>>, vector<16xf32>,
    %swap3A_37 = vector.shape_cast %swap3A_36 : vector<16xf32> to vector<16xf32>
    %swap3A_38 = vector.shape_cast %broadcast_in_dim3A_34 : vector<16xf32> to vector<16xf32>
    tpu.vector_store %arg6[%swap3A_35], %swap3A_38 {strides = array<i32>} : memref<128xf32, #tpu.memory_space<vmem>>, vector<16xf32>,
    %broadcast_in_dim3A_39 = arith.constant 1.000000e+00 : f32
    %broadcast_in_dim3A_40 = vector.broadcast %broadcast_in_dim3A_39 : f32 to vector<16xf32>
    %swap3A_41 = arith.constant 96 : index
    %swap3A_42 = tpu.vector_load %arg6[%swap3A_41] {strides = array<i32>} : memref<128xf32, #tpu.memory_space<vmem>>, vector<16xf32>,
    %swap3A_43 = vector.shape_cast %swap3A_42 : vector<16xf32> to vector<16xf32>
    %swap3A_44 = vector.shape_cast %broadcast_in_dim3A_40 : vector<16xf32> to vector<16xf32>
    tpu.vector_store %arg6[%swap3A_41], %swap3A_44 {strides = array<i32>} : memref<128xf32, #tpu.memory_space<vmem>>, vector<16xf32>,
    %broadcast_in_dim3A_45 = arith.constant 1.000000e+00 : f32
    %broadcast_in_dim3A_46 = vector.broadcast %broadcast_in_dim3A_45 : f32 to vector<16xf32>
    %swap3A_47 = arith.constant 112 : index
    %swap3A_48 = tpu.vector_load %arg6[%swap3A_47] {strides = array<i32>} : memref<128xf32, #tpu.memory_space<vmem>>, vector<16xf32>,
    %swap3A_49 = vector.shape_cast %swap3A_48 : vector<16xf32> to vector<16xf32>
    %swap3A_50 = vector.shape_cast %broadcast_in_dim3A_46 : vector<16xf32> to vector<16xf32>
    tpu.vector_store %arg6[%swap3A_47], %swap3A_50 {strides = array<i32>} : memref<128xf32, #tpu.memory_space<vmem>>, vector<16xf32>,
    "tpu.region"() ({
      %run_scoped3A = tpu.sem_alloc : memref<!tpu.dma_semaphore, #tpu.memory_space<semaphore_mem>>
      %dma_start3A = arith.constant 0 : i32
      %dma_start3A_61 = tpu.memref_slice %arg2[%add3A, %dma_start3A] : memref<32x10112xi32, #tpu.memory_space<hbm>> -> memref<1x10112xi32, #tpu.memory_space<hbm>>
      %dma_start3A_62 = tpu.memref_squeeze %dma_start3A_61 : memref<1x10112xi32, #tpu.memory_space<hbm>> -> memref<10112xi32, #tpu.memory_space<hbm>>
      %dma_start3A_63 = arith.constant 0 : i32
      %dma_start3A_64 = tpu.memref_slice %arg2[%add3A, %dma_start3A_63] : memref<32x10112xi32, #tpu.memory_space<hbm>> -> memref<1x10112xi32, #tpu.memory_space<hbm>>
      %dma_start3A_65 = tpu.memref_squeeze %dma_start3A_64 : memref<1x10112xi32, #tpu.memory_space<hbm>> -> memref<10112xi32, #tpu.memory_space<hbm>>
      tpu.enqueue_dma source(%dma_start3A_65 : memref<10112xi32, #tpu.memory_space<hbm>>) target(%arg5 : memref<10112xi32, #tpu.memory_space<vmem>>) target_semaphore(%run_scoped3A : memref<!tpu.dma_semaphore, #tpu.memory_space<semaphore_mem>>)
      %dma_wait3A = arith.constant 0 : i32
      %dma_wait3A_66 = tpu.memref_slice %arg2[%add3A, %dma_wait3A] : memref<32x10112xi32, #tpu.memory_space<hbm>> -> memref<1x10112xi32, #tpu.memory_space<hbm>>
      %dma_wait3A_67 = tpu.memref_squeeze %dma_wait3A_66 : memref<1x10112xi32, #tpu.memory_space<hbm>> -> memref<10112xi32, #tpu.memory_space<hbm>>
      %dma_wait3A_68 = arith.constant 0 : i32
      %dma_wait3A_69 = tpu.memref_slice %arg2[%add3A, %dma_wait3A_68] : memref<32x10112xi32, #tpu.memory_space<hbm>> -> memref<1x10112xi32, #tpu.memory_space<hbm>>
      %dma_wait3A_70 = tpu.memref_squeeze %dma_wait3A_69 : memref<1x10112xi32, #tpu.memory_space<hbm>> -> memref<10112xi32, #tpu.memory_space<hbm>>
      tpu.wait_dma2 semaphore(%run_scoped3A : memref<!tpu.dma_semaphore, #tpu.memory_space<semaphore_mem>>) src(%dma_wait3A_70 : memref<10112xi32, #tpu.memory_space<hbm>>) dst(%arg5 : memref<10112xi32, #tpu.memory_space<vmem>>)
      tpu.yield
    }) : () -> ()
    %barrier3A = arith.constant 0 : index
    tpu.barrier barrier_id(%barrier3A)
    %scan3A = arith.constant 0 : i32
    %scan3A_51 = arith.constant 0 : i32
    %scan3A_52 = arith.constant 79 : i32
    %scan3A_53 = arith.addi %scan3A_51, %scan3A_52 : i32
    %scan3A_54 = arith.constant 1 : i32
    scf.for %scan3A_61 = %scan3A_51 to %scan3A_53 step %scan3A_54  : i32 {
      %mul3A_62 = arith.constant 128 : i32
      %mul3A_63 = arith.muli %scan3A_61, %mul3A_62 : i32
      "tpu.region"() ({
        %run_scoped3A = tpu.sem_alloc : memref<!tpu.dma_semaphore, #tpu.memory_space<semaphore_mem>>
        %dma_start3A = tpu.memref_slice %arg5[%mul3A_63] : memref<10112xi32, #tpu.memory_space<vmem>> -> memref<128xi32, #tpu.memory_space<vmem>>
        %dma_start3A_64 = arith.constant 0 : i32
        %dma_start3A_65 = tpu.memref_slice %arg8[%dma_start3A_64] : memref<10240xf32, #tpu.memory_space<vmem_shared>> -> memref<10240xf32, #tpu.memory_space<vmem_shared>>
        tpu.enqueue_indirect_dma source(%arg6 : memref<128xf32, #tpu.memory_space<vmem>>) target(%dma_start3A_65 : memref<10240xf32, #tpu.memory_space<vmem_shared>>) offsets(%dma_start3A : memref<128xi32, #tpu.memory_space<vmem>>) semaphore(%run_scoped3A : memref<!tpu.dma_semaphore, #tpu.memory_space<semaphore_mem>>) {add = true}
        %dma_wait3A = tpu.memref_slice %arg5[%mul3A_63] : memref<10112xi32, #tpu.memory_space<vmem>> -> memref<128xi32, #tpu.memory_space<vmem>>
        %dma_wait3A_66 = arith.constant 0 : i32
        %dma_wait3A_67 = tpu.memref_slice %arg8[%dma_wait3A_66] : memref<10240xf32, #tpu.memory_space<vmem_shared>> -> memref<10240xf32, #tpu.memory_space<vmem_shared>>
        tpu.wait_indirect_dma semaphore(%run_scoped3A : memref<!tpu.dma_semaphore, #tpu.memory_space<semaphore_mem>>) src(%arg6 : memref<128xf32, #tpu.memory_space<vmem>>) dst(%dma_wait3A_67 : memref<10240xf32, #tpu.memory_space<vmem_shared>>)
        tpu.yield
      }) : () -> ()
    }
    %scan3A_55 = arith.constant 79 : i32
    %barrier3A_56 = arith.constant 0 : index
    tpu.barrier barrier_id(%barrier3A_56)
    %mul3A_57 = arith.constant 640 : i32
    %mul3A_58 = arith.muli %arg1, %mul3A_57 : i32
    "tpu.region"() ({
      %run_scoped3A = tpu.sem_alloc : memref<!tpu.dma_semaphore, #tpu.memory_space<semaphore_mem>>
      %dma_start3A = tpu.memref_slice %arg8[%mul3A_58] : memref<10240xf32, #tpu.memory_space<vmem_shared>> -> memref<640xf32, #tpu.memory_space<vmem_shared>>
      %dma_start3A_61 = tpu.memref_slice %arg8[%mul3A_58] : memref<10240xf32, #tpu.memory_space<vmem_shared>> -> memref<640xf32, #tpu.memory_space<vmem_shared>>
      tpu.enqueue_dma source(%dma_start3A_61 : memref<640xf32, #tpu.memory_space<vmem_shared>>) target(%arg7 : memref<640xf32, #tpu.memory_space<vmem>>) target_semaphore(%run_scoped3A : memref<!tpu.dma_semaphore, #tpu.memory_space<semaphore_mem>>)
      %dma_wait3A = tpu.memref_slice %arg8[%mul3A_58] : memref<10240xf32, #tpu.memory_space<vmem_shared>> -> memref<640xf32, #tpu.memory_space<vmem_shared>>
      %dma_wait3A_62 = tpu.memref_slice %arg8[%mul3A_58] : memref<10240xf32, #tpu.memory_space<vmem_shared>> -> memref<640xf32, #tpu.memory_space<vmem_shared>>
      tpu.wait_dma2 semaphore(%run_scoped3A : memref<!tpu.dma_semaphore, #tpu.memory_space<semaphore_mem>>) src(%dma_wait3A_62 : memref<640xf32, #tpu.memory_space<vmem_shared>>) dst(%arg7 : memref<640xf32, #tpu.memory_space<vmem>>)
      tpu.yield
    }) : () -> ()
    %mul3A_59 = arith.constant 640 : i32
    %mul3A_60 = arith.muli %arg1, %mul3A_59 : i32
    "tpu.region"() ({
      %run_scoped3A = tpu.sem_alloc : memref<!tpu.dma_semaphore, #tpu.memory_space<semaphore_mem>>
      %dma_start3A = tpu.memref_slice %arg4[%arg0, %mul3A_60] : memref<2x10240xf32, #tpu.memory_space<hbm>> -> memref<1x640xf32, #tpu.memory_space<hbm>>
      %dma_start3A_61 = tpu.memref_squeeze %dma_start3A : memref<1x640xf32, #tpu.memory_space<hbm>> -> memref<640xf32, #tpu.memory_space<hbm>>
      %dma_start3A_62 = tpu.memref_slice %arg4[%arg0, %mul3A_60] : memref<2x10240xf32, #tpu.memory_space<hbm>> -> memref<1x640xf32, #tpu.memory_space<hbm>>
      %dma_start3A_63 = tpu.memref_squeeze %dma_start3A_62 : memref<1x640xf32, #tpu.memory_space<hbm>> -> memref<640xf32, #tpu.memory_space<hbm>>
      tpu.enqueue_dma source(%arg7 : memref<640xf32, #tpu.memory_space<vmem>>) target(%dma_start3A_63 : memref<640xf32, #tpu.memory_space<hbm>>) target_semaphore(%run_scoped3A : memref<!tpu.dma_semaphore, #tpu.memory_space<semaphore_mem>>)
      %dma_wait3A = tpu.memref_slice %arg4[%arg0, %mul3A_60] : memref<2x10240xf32, #tpu.memory_space<hbm>> -> memref<1x640xf32, #tpu.memory_space<hbm>>
      %dma_wait3A_64 = tpu.memref_squeeze %dma_wait3A : memref<1x640xf32, #tpu.memory_space<hbm>> -> memref<640xf32, #tpu.memory_space<hbm>>
      %dma_wait3A_65 = tpu.memref_slice %arg4[%arg0, %mul3A_60] : memref<2x10240xf32, #tpu.memory_space<hbm>> -> memref<1x640xf32, #tpu.memory_space<hbm>>
      %dma_wait3A_66 = tpu.memref_squeeze %dma_wait3A_65 : memref<1x640xf32, #tpu.memory_space<hbm>> -> memref<640xf32, #tpu.memory_space<hbm>>
      tpu.wait_dma2 semaphore(%run_scoped3A : memref<!tpu.dma_semaphore, #tpu.memory_space<semaphore_mem>>) src(%arg7 : memref<640xf32, #tpu.memory_space<vmem>>) dst(%dma_wait3A_66 : memref<640xf32, #tpu.memory_space<hbm>>)
      tpu.yield
    }) : () -> ()
    return
  }
}

module attributes {stable_mosaic.version = 14 : i64} {
  func.func @_mm_body(%arg0: i32, %arg1: memref<128x128xf32, #tpu.memory_space<vmem>>, %arg2: memref<128x128xf32, #tpu.memory_space<vmem>>, %arg3: memref<2x80x128xf32, #tpu.memory_space<vmem>>, %arg4: memref<128x128xf32, #tpu.memory_space<vmem>>) attributes {dimension_semantics = [#tpu.dimension_semantics<arbitrary>], iteration_bounds = array<i64: 80>, scalar_prefetch = 0 : i64, scratch_operands = 0 : i64, tpu.core_type = #tpu.core_type<tc>, window_params = [{transform_indices = @transform_0, window_bounds = array<i64: 128, 128>}, {pipeline_mode = #tpu.pipeline_mode<synchronous>, transform_indices = @transform_1, window_bounds = array<i64: 128, 128>}, {pipeline_mode = #tpu.pipeline_mode<synchronous>, transform_indices = @transform_2, window_bounds = array<i64: 2, 80, 128>}, {transform_indices = @transform_3, window_bounds = array<i64: 128, 128>}]} {
    %get3A = arith.constant 0 : index
    %get3A_0 = arith.constant 0 : index
    %get3A_1 = vector.load %arg1[%get3A, %get3A_0] : memref<128x128xf32, #tpu.memory_space<vmem>>, vector<128x128xf32>
    %get3A_2 = arith.constant 0 : index
    %get3A_3 = arith.constant 0 : index
    %get3A_4 = vector.load %arg2[%get3A_2, %get3A_3] : memref<128x128xf32, #tpu.memory_space<vmem>>, vector<128x128xf32>
    %dot_general3A = arith.constant dense<0.000000e+00> : vector<128x128xf32>
    %dot_general3A_5 = tpu.matmul %get3A_1, %get3A_4, %dot_general3A {dimension_numbers = #tpu.dot_dimension_numbers<[1], [0], [0], [1], [0, 0, 1, 1], [], []>, transpose_lhs_hint = false} : vector<128x128xf32>, vector<128x128xf32>, vector<128x128xf32> -> vector<128x128xf32>
    %get3A_6 = arith.constant 0 : index
    %get3A_7 = arith.index_cast %arg0 : i32 to index
    %get3A_8 = arith.constant 0 : index
    %get3A_9 = vector.load %arg3[%get3A_6, %get3A_7, %get3A_8] : memref<2x80x128xf32, #tpu.memory_space<vmem>>, vector<1x1x128xf32>
    %get3A_10 = vector.shape_cast %get3A_9 : vector<1x1x128xf32> to vector<128xf32>
    %get3A_11 = arith.constant 1 : index
    %get3A_12 = arith.index_cast %arg0 : i32 to index
    %get3A_13 = arith.constant 0 : index
    %get3A_14 = vector.load %arg3[%get3A_11, %get3A_12, %get3A_13] : memref<2x80x128xf32, #tpu.memory_space<vmem>>, vector<1x1x128xf32>
    %get3A_15 = vector.shape_cast %get3A_14 : vector<1x1x128xf32> to vector<128xf32>
    %add3A = arith.addf %get3A_10, %get3A_15 : vector<128xf32>
    %add3A_16 = arith.constant 1.000000e+00 : f32
    %add3A_17 = vector.broadcast %add3A_16 : f32 to vector<128xf32>
    %add3A_18 = arith.addf %add3A, %add3A_17 : vector<128xf32>
    %rsqrt3A = math.rsqrt %add3A_18 : vector<128xf32>
    %iota3A = tpu.iota {dimensions = array<i32: 0>} : vector<128x128xi32>
    %iota3A_19 = tpu.iota {dimensions = array<i32: 1>} : vector<128x128xi32>
    %eq3A = arith.cmpi eq, %iota3A, %iota3A_19 : vector<128x128xi32>
    %broadcast_in_dim3A = vector.shape_cast %rsqrt3A : vector<128xf32> to vector<1x128xf32>
    %jit3A = arith.constant 0.000000e+00 : f32
    %broadcast_in_dim3A_20 = vector.shape_cast %broadcast_in_dim3A : vector<1x128xf32> to vector<1x128xf32>
    %broadcast_in_dim3A_21 = vector.broadcast %broadcast_in_dim3A_20 : vector<1x128xf32> to vector<128x128xf32>
    %broadcast_in_dim3A_22 = vector.broadcast %jit3A : f32 to vector<128x128xf32>
    %select_n3A = arith.select %eq3A, %broadcast_in_dim3A_21, %broadcast_in_dim3A_22 : vector<128x128xi1>, vector<128x128xf32>
    %reduce_sum3A = arith.constant dense<0.000000e+00> : vector<128xf32>
    %reduce_sum3A_23 = vector.multi_reduction <add>, %select_n3A, %reduce_sum3A [1] : vector<128x128xf32> to vector<128xf32>
    %broadcast_in_dim3A_24 = vector.shape_cast %reduce_sum3A_23 : vector<128xf32> to vector<128x1xf32>
    %mul3A = vector.broadcast %broadcast_in_dim3A_24 : vector<128x1xf32> to vector<128x128xf32>
    %mul3A_25 = arith.mulf %dot_general3A_5, %mul3A : vector<128x128xf32>
    %swap3A = arith.constant 0 : index
    %swap3A_26 = arith.constant 0 : index
    %swap3A_27 = vector.load %arg4[%swap3A, %swap3A_26] : memref<128x128xf32, #tpu.memory_space<vmem>>, vector<128x128xf32>
    tpu.vector_store %arg4[%swap3A, %swap3A_26], %mul3A_25 {strides = array<i32>} : memref<128x128xf32, #tpu.memory_space<vmem>>, vector<128x128xf32>,
    return
  }
  func.func @transform_0(%arg0: i32) -> (i32, i32) {
    %c0_i32 = arith.constant 0 : i32
    %c0_i32_0 = arith.constant 0 : i32
    return %arg0, %c0_i32 : i32, i32
  }
  func.func @transform_1(%arg0: i32) -> (i32, i32) {
    %c0_i32 = arith.constant 0 : i32
    %c0_i32_0 = arith.constant 0 : i32
    %c0_i32_1 = arith.constant 0 : i32
    return %c0_i32, %c0_i32_0 : i32, i32
  }
  func.func @transform_2(%arg0: i32) -> (i32, i32, i32) {
    %c0_i32 = arith.constant 0 : i32
    %c0_i32_0 = arith.constant 0 : i32
    %c0_i32_1 = arith.constant 0 : i32
    %c0_i32_2 = arith.constant 0 : i32
    return %c0_i32, %c0_i32_0, %c0_i32_1 : i32, i32, i32
  }
  func.func @transform_3(%arg0: i32) -> (i32, i32) {
    %c0_i32 = arith.constant 0 : i32
    %c0_i32_0 = arith.constant 0 : i32
    return %arg0, %c0_i32 : i32, i32
  }
}

module attributes {stable_mosaic.version = 14 : i64} {
  func.func @_epi_body(%arg0: i32, %arg1: memref<2x128x128xf32, #tpu.memory_space<vmem>>, %arg2: memref<2x80x128xf32, #tpu.memory_space<vmem>>, %arg3: memref<128x128xf32, #tpu.memory_space<vmem>>, %arg4: memref<1x128xf32, #tpu.memory_space<vmem>>, %arg5: memref<128x128xf32, #tpu.memory_space<vmem>>) attributes {dimension_semantics = [#tpu.dimension_semantics<arbitrary>], iteration_bounds = array<i64: 80>, scalar_prefetch = 0 : i64, scratch_operands = 0 : i64, tpu.core_type = #tpu.core_type<tc>, window_params = [{transform_indices = @transform_0, window_bounds = array<i64: 2, 128, 128>}, {pipeline_mode = #tpu.pipeline_mode<synchronous>, transform_indices = @transform_1, window_bounds = array<i64: 2, 80, 128>}, {transform_indices = @transform_2, window_bounds = array<i64: 128, 128>}, {pipeline_mode = #tpu.pipeline_mode<synchronous>, transform_indices = @transform_3, window_bounds = array<i64: 1, 128>}, {transform_indices = @transform_4, window_bounds = array<i64: 128, 128>}]} {
    %get3A = arith.constant 0 : index
    %get3A_0 = arith.constant 0 : index
    %get3A_1 = arith.constant 0 : index
    %get3A_2 = vector.load %arg1[%get3A, %get3A_0, %get3A_1] : memref<2x128x128xf32, #tpu.memory_space<vmem>>, vector<1x128x128xf32>
    %get3A_3 = vector.shape_cast %get3A_2 : vector<1x128x128xf32> to vector<128x128xf32>
    %get3A_4 = arith.constant 1 : index
    %get3A_5 = arith.constant 0 : index
    %get3A_6 = arith.constant 0 : index
    %get3A_7 = vector.load %arg1[%get3A_4, %get3A_5, %get3A_6] : memref<2x128x128xf32, #tpu.memory_space<vmem>>, vector<1x128x128xf32>
    %get3A_8 = vector.shape_cast %get3A_7 : vector<1x128x128xf32> to vector<128x128xf32>
    %add3A = arith.addf %get3A_3, %get3A_8 : vector<128x128xf32>
    %get3A_9 = arith.constant 0 : index
    %get3A_10 = arith.constant 0 : index
    %get3A_11 = vector.load %arg3[%get3A_9, %get3A_10] : memref<128x128xf32, #tpu.memory_space<vmem>>, vector<128x128xf32>
    %add3A_12 = arith.addf %add3A, %get3A_11 : vector<128x128xf32>
    %get3A_13 = arith.constant 0 : index
    %get3A_14 = arith.index_cast %arg0 : i32 to index
    %get3A_15 = arith.constant 0 : index
    %get3A_16 = vector.load %arg2[%get3A_13, %get3A_14, %get3A_15] : memref<2x80x128xf32, #tpu.memory_space<vmem>>, vector<1x1x128xf32>
    %get3A_17 = vector.shape_cast %get3A_16 : vector<1x1x128xf32> to vector<128xf32>
    %get3A_18 = arith.constant 1 : index
    %get3A_19 = arith.index_cast %arg0 : i32 to index
    %get3A_20 = arith.constant 0 : index
    %get3A_21 = vector.load %arg2[%get3A_18, %get3A_19, %get3A_20] : memref<2x80x128xf32, #tpu.memory_space<vmem>>, vector<1x1x128xf32>
    %get3A_22 = vector.shape_cast %get3A_21 : vector<1x1x128xf32> to vector<128xf32>
    %add3A_23 = arith.addf %get3A_17, %get3A_22 : vector<128xf32>
    %add3A_24 = arith.constant 1.000000e+00 : f32
    %add3A_25 = vector.broadcast %add3A_24 : f32 to vector<128xf32>
    %add3A_26 = arith.addf %add3A_23, %add3A_25 : vector<128xf32>
    %rsqrt3A = math.rsqrt %add3A_26 : vector<128xf32>
    %iota3A = tpu.iota {dimensions = array<i32: 0>} : vector<128x128xi32>
    %iota3A_27 = tpu.iota {dimensions = array<i32: 1>} : vector<128x128xi32>
    %eq3A = arith.cmpi eq, %iota3A, %iota3A_27 : vector<128x128xi32>
    %broadcast_in_dim3A = vector.shape_cast %rsqrt3A : vector<128xf32> to vector<1x128xf32>
    %jit3A = arith.constant 0.000000e+00 : f32
    %broadcast_in_dim3A_28 = vector.shape_cast %broadcast_in_dim3A : vector<1x128xf32> to vector<1x128xf32>
    %broadcast_in_dim3A_29 = vector.broadcast %broadcast_in_dim3A_28 : vector<1x128xf32> to vector<128x128xf32>
    %broadcast_in_dim3A_30 = vector.broadcast %jit3A : f32 to vector<128x128xf32>
    %select_n3A = arith.select %eq3A, %broadcast_in_dim3A_29, %broadcast_in_dim3A_30 : vector<128x128xi1>, vector<128x128xf32>
    %reduce_sum3A = arith.constant dense<0.000000e+00> : vector<128xf32>
    %reduce_sum3A_31 = vector.multi_reduction <add>, %select_n3A, %reduce_sum3A [1] : vector<128x128xf32> to vector<128xf32>
    %broadcast_in_dim3A_32 = vector.shape_cast %reduce_sum3A_31 : vector<128xf32> to vector<128x1xf32>
    %mul3A = vector.broadcast %broadcast_in_dim3A_32 : vector<128x1xf32> to vector<128x128xf32>
    %mul3A_33 = arith.mulf %add3A_12, %mul3A : vector<128x128xf32>
    %get3A_34 = arith.constant 0 : index
    %get3A_35 = arith.constant 0 : index
    %get3A_36 = vector.load %arg4[%get3A_34, %get3A_35] : memref<1x128xf32, #tpu.memory_space<vmem>>, vector<1x128xf32>
    %add3A_37 = vector.broadcast %get3A_36 : vector<1x128xf32> to vector<128x128xf32>
    %add3A_38 = arith.addf %mul3A_33, %add3A_37 : vector<128x128xf32>
    %max3A = arith.constant 0.000000e+00 : f32
    %max3A_39 = vector.broadcast %max3A : f32 to vector<128x128xf32>
    %max3A_40 = arith.maximumf %add3A_38, %max3A_39 : vector<128x128xf32>
    %swap3A = arith.constant 0 : index
    %swap3A_41 = arith.constant 0 : index
    %swap3A_42 = vector.load %arg5[%swap3A, %swap3A_41] : memref<128x128xf32, #tpu.memory_space<vmem>>, vector<128x128xf32>
    tpu.vector_store %arg5[%swap3A, %swap3A_41], %max3A_40 {strides = array<i32>} : memref<128x128xf32, #tpu.memory_space<vmem>>, vector<128x128xf32>,
    return
  }
  func.func @transform_0(%arg0: i32) -> (i32, i32, i32) {
    %c0_i32 = arith.constant 0 : i32
    %c0_i32_0 = arith.constant 0 : i32
    %c0_i32_1 = arith.constant 0 : i32
    return %c0_i32, %arg0, %c0_i32_0 : i32, i32, i32
  }
  func.func @transform_1(%arg0: i32) -> (i32, i32, i32) {
    %c0_i32 = arith.constant 0 : i32
    %c0_i32_0 = arith.constant 0 : i32
    %c0_i32_1 = arith.constant 0 : i32
    %c0_i32_2 = arith.constant 0 : i32
    return %c0_i32, %c0_i32_0, %c0_i32_1 : i32, i32, i32
  }
  func.func @transform_2(%arg0: i32) -> (i32, i32) {
    %c0_i32 = arith.constant 0 : i32
    %c0_i32_0 = arith.constant 0 : i32
    return %arg0, %c0_i32 : i32, i32
  }
  func.func @transform_3(%arg0: i32) -> (i32, i32) {
    %c0_i32 = arith.constant 0 : i32
    %c0_i32_0 = arith.constant 0 : i32
    %c0_i32_1 = arith.constant 0 : i32
    return %c0_i32, %c0_i32_0 : i32, i32
  }
  func.func @transform_4(%arg0: i32) -> (i32, i32) {
    %c0_i32 = arith.constant 0 : i32
    %c0_i32_0 = arith.constant 0 : i32
    return %arg0, %c0_i32 : i32, i32
  }
}

</mosaic_0001>

<sc_bundles>
// kernel: kernel.6.cloned.1.call-start
scs
__scs_entry_jumppad:
0x0: {  	(pc) =	sbr.rel $0x88, $3  }
0x1: {  	(tag) =	ssettag $0x0;
	lr =	simm.s32 $0x1  }
0x2: {  	[smem:$0x3F9D] =	sst lr;
	_ =	strace $0xD0000000  }
0x3: {  	_ = 	snop  }
0x4: {  	_ = 	snop  }
0x5: {  	_ = 	snop  }
0x6: {  	_ = 	snop  }
0x7: {  	_ = 	snop  }
__scs_overlays_trampoline_lowered:
0x8: {  	[smem:$0x3FAC] =	sst s0  }
0x9: {  	[smem:$0x3FAD] =	sst s1  }
0xa: {  	[smem:$0x3FAE] =	sst s2  }
0xb: {  	[smem:$0x3FAF] =	sst s3  }
0xc: {  	[smem:$0x3FB0] =	sst s4  }
0xd: {  	[smem:$0x3FB1] =	sst s5  }
0xe: {  	[smem:$0x3FB2] =	sst s6  }
0xf: {  	[smem:$0x3FB3] =	sst s7  }
0x10: {  	[smem:$0x3FB4] =	sst s8  }
0x11: {  	[smem:$0x3FB5] =	sst s9;
	s0 =	simm.s32 @!p0 $0x0  }
0x12: {  	s1 =	sld [smem:$0x3F9B];
	s0 =	simm.s32 @p0 $0x1  }
0x13: {  	[smem:$0x3FB6] =	sst s0;
	s0 =	simm.s32 @!p1 $0x0  }
0x14: {  	s2 =	sld [smem:$0x3F9A];
	s0 =	simm.s32 @p1 $0x1  }
0x15: {  	[smem:$0x3FB7] =	sst s0;
	s0 =	simm.s32 @!p2 $0x0  }
0x16: {  	s3 =	sld [smem:$0x3FDB];
	s0 =	simm.s32 @p2 $0x1  }
0x17: {  	s4 =	simm.s32 $0x1BF5;
	[smem:$0x3FB9] =	sst s0  }
0x18: {  	s0 =	sld [smem:$0x3F9C];
	_ =	swait.ge [sflag:s4], $0x0  }
0x19: {  	s7 =	sld [smem:$0x3F9D]  }
0x1a: {  	s8 =	sadd.s32 $0xFFFFE003, lr  }
0x1b: {  	s9 =	sadd.s32 $0xFFFFFEF7, lr;
	s5 =	simm.s32 $0xFFFFFFFF;
	p2 =	slt.u32 s8, $0xFFFFF086  }
0x1c: {  	p1 =	slt.u32 s9, $0xF7A;
	s5 =	simm.s32 @!p2 $0x0  }
0x1d: {  	s5 =	simm.s32 @p1 $0x1;
	p0 =	seq.s32 s7, s2  }
0x1e: {  	s7 =	smul.u32 @!p0 $0xF7A, s2;
	p2 =	seq.s32 @!p0 s5, $0x0  }
0x1f: {  	s9 =	smul.u32 $0xF7A, s1;
	s8 =	simm.s32 @!p0 $0x1BF5;
	p2 =	por !p2, p0  }
0x20: {  	[sflag:s8] =	ssyncset.s32 @!p0 $0xFFFFF086;
	s6 =	sadd.s32 @!p0 s3, s7;
	s7 =	simm.s32 @!p0 $0x108  }
0x21: {  	s3 =	sadd.s32 s3, s9;
	s6 =	sadd.s32 @!p0 $0x88, s6;
	s7 =	simm.s32 @p2 $0x1082  }
0x22: {  	[simem:s7], [sflag:s8] =	dma.local @!p0 [hbm:s6], $0xF7A  }
0x23: {  	s9 =	sor.u32 $0xD0000000, s2;
	s6 =	simm.s32 $0x108;
	_ =	swait.ge @!p0 [sflag:s8], $0x0  }
0x24: {  	s3 =	sadd.s32 $0x88, s3;
	s6 =	simm.s32 @!p1 $0x1082;
	[sflag:s4] =	ssyncset.s32 $0xFFFFF086  }
0x25: {  	[simem:s6], [sflag:s4] =	dma.local [hbm:s3], $0xF7A  }
0x26: {  	[smem:$0x3F9D] =	sst s1;
	(tag) =	ssettag s2;
	_ =	strace s9  }
0x27: {  	s1 =	sld [smem:$0x3FAD]  }
0x28: {  	s2 =	sld [smem:$0x3FAE]  }
0x29: {  	s4 =	sld [smem:$0x3FB0]  }
0x2a: {  	p0 =	seq.s32 s5, $0x0;
	s5 =	sld [smem:$0x3FB1]  }
0x2b: {  	s6 =	sld [smem:$0x3FB2]  }
0x2c: {  	s7 =	sld [smem:$0x3FB3]  }
0x2d: {  	s3 =	simm.s32 $0x108;
	s8 =	sld [smem:$0x3FB4]  }
0x2e: {  	s3 =	simm.s32 @!p0 $0x1082;
	s9 =	sld [smem:$0x3FB5]  }
0x2f: {  	lr =	sadd.s32 s0, s3;
	s0 =	sld [smem:$0x3FAC]  }
0x30: {  	s3 =	sld [smem:$0x3FAF]  }
0x31: {  	[smem:$0x3FB8] =	sst s10  }
0x32: {  	s10 =	sld [smem:$0x3FB6];
	_ =	sdelay $0x3  }
0x33: {  	p0 =	seq.s32 s10, $0x1;
	s10 =	sld [smem:$0x3FB8];
	_ =	sdelay $0x3  }
0x34: {  	[smem:$0x3FB8] =	sst s10  }
0x35: {  	s10 =	sld [smem:$0x3FB7];
	_ =	sdelay $0x3  }
0x36: {  	p1 =	seq.s32 s10, $0x1;
	s10 =	sld [smem:$0x3FB8];
	_ =	sdelay $0x3  }
0x37: {  	[smem:$0x3FB8] =	sst s10  }
0x38: {  	s10 =	sld [smem:$0x3FB9]  }
0x39: {  	_ = 	snop;
	(pc) =	sbr.ind lr, $3  }
0x3a: {  	_ = 	snop  }
0x3b: {  	_ = 	snop  }
0x3c: {  	p2 =	seq.s32 s10, $0x1;
	s10 =	sld [smem:$0x3FB8]  }
0x3d: {  	_ =	shalt  }
0x3e: {  	_ =	shalt  }
0x3f: {  	_ =	shalt  }
0x40: {  	_ =	shalt  }
0x41: {  	_ =	shalt  }
0x42: {  	_ =	shalt  }
0x43: {  	_ =	shalt  }
0x44: {  	_ =	shalt  }
0x45: {  	_ =	shalt  }
0x46: {  	_ =	shalt  }
0x47: {  	_ =	shalt  }
0x48: {  	_ =	shalt  }
0x49: {  	_ =	shalt  }
0x4a: {  	_ =	shalt  }
0x4b: {  	_ =	shalt  }
0x4c: {  	_ =	shalt  }
0x4d: {  	_ =	shalt  }
0x4e: {  	_ =	shalt  }
0x4f: {  	_ =	shalt  }
0x50: {  	_ =	shalt  }
0x51: {  	_ =	shalt  }
0x52: {  	_ =	shalt  }
0x53: {  	_ =	shalt  }
0x54: {  	_ =	shalt  }
0x55: {  	_ =	shalt  }
0x56: {  	_ =	shalt  }
0x57: {  	_ =	shalt  }
0x58: {  	_ =	shalt  }
0x59: {  	_ =	shalt  }
0x5a: {  	_ =	shalt  }
0x5b: {  	_ =	shalt  }
0x5c: {  	_ =	shalt  }
0x5d: {  	_ =	shalt  }
0x5e: {  	_ =	shalt  }
0x5f: {  	_ =	shalt  }
0x60: {  	_ =	shalt  }
0x61: {  	_ =	shalt  }
0x62: {  	_ =	shalt  }
0x63: {  	_ =	shalt  }
0x64: {  	_ =	shalt  }
0x65: {  	_ =	shalt  }
0x66: {  	_ =	shalt  }
0x67: {  	_ =	shalt  }
0x68: {  	_ =	shalt  }
0x69: {  	_ =	shalt  }
0x6a: {  	_ =	shalt  }
0x6b: {  	_ =	shalt  }
0x6c: {  	_ =	shalt  }
0x6d: {  	_ =	shalt  }
0x6e: {  	_ =	shalt  }
0x6f: {  	_ =	shalt  }
0x70: {  	_ =	shalt  }
0x71: {  	_ =	shalt  }
0x72: {  	_ =	shalt  }
0x73: {  	_ =	shalt  }
0x74: {  	_ =	shalt  }
0x75: {  	_ =	shalt  }
0x76: {  	_ =	shalt  }
0x77: {  	_ =	shalt  }
0x78: {  	_ =	shalt  }
0x79: {  	_ =	shalt  }
0x7a: {  	_ =	shalt  }
0x7b: {  	_ =	shalt  }
0x7c: {  	_ =	shalt  }
0x7d: {  	_ =	shalt  }
0x7e: {  	_ =	shalt  }
0x7f: {  	_ =	shalt  }
0x80: {  	_ =	shalt  }
0x81: {  	_ =	shalt  }
0x82: {  	_ =	shalt  }
0x83: {  	_ =	shalt  }
0x84: {  	_ =	shalt  }
0x85: {  	_ =	shalt  }
0x86: {  	_ =	shalt  }
0x87: {  	_ =	shalt  }
.Lfunc_end0:
.L_simem_size_0:
called_computation_lowered:
.L_overlay_start_0:
0x88: {  	s2 =	sld [smem:$0x3FD9]  }
0x89: {  	s3 =	sld [smem:$0x3FFE];
	_ =	sdelay $0x1  }
0x8a: {  	s1 =	srdreg.scid  }
0x8b: {  	s0 =	sand.u32 $0x1, s1  }
0x8c: {  	s16 =	sshll.u32 s0, $0xA;
	s2 =	sadd.s32 s3, s2  }
0x8d: {  	s2 =	sadd.s32 s2, s16  }
0x8e: {  	[smem:$0x3FC4] =	sst s2  }
0x8f: {  	_ = 	snop  }
0x90: {  	(tm) =	ssettm $0x1  }
0x91: {  	s17 =	sld [smem:$0x3FFB];
	_ =	sdelay $0x3  }
0x92: {  	_ =	strace s17  }
0x93: {  	s2 =	sld [smem:$0x3FFC];
	_ =	sdelay $0x3  }
0x94: {  	_ =	strace s2  }
0x95: {  	s2 =	sld [smem:$0x3FFD];
	_ =	sdelay $0x3  }
0x96: {  	_ =	strace s2  }
0x97: {  	_ =	strace $0x8FFFFFFF  }
0x98: {  	s18 =	sld [smem:$0x3FDB];
	_ =	sdelay $0x1  }
0x99: {  	s19 =	simm.s32 $_scs_section_size  }
0x9a: {  	s4 =	simm.s32 $_size__tile_overlayer_lowered;
	s5 =	simm.s32 $_tile_overlayer_lowered  }
0x9b: {  	s22 =	simm.s32 $0x1BFF;
	s21 =	sshll.u32 s5, $0x1;
	s2 =	sadd.s32 s19, s18  }
0x9c: {  	s6 =	simm.s32 $0x0;
	s20 =	sshll.u32 s4, $0x1;
	s4 =	sadd.s32 s21, s2  }
0x9d: {  	[timem:s6], [sflag:s22] =	dma.local [hbm:s4], s20  }
0x9e: {  	_ =	swait.ge [sflag:s22], s20  }
0x9f: {  	s3 =	ssub.s32 $0x0, s20;
	[sflag:s22] =	ssyncset.done $0x0  }
0xa0: {  	[sflag:s22] =	ssyncadd.s32 s3;
	_ =	sdelay $0x1  }
0xa1: {  	s23 =	simm.s32 $0x1B8B  }
0xa2: {  	_ =	swait.ge [sflag:s23], $0x1  }
0xa3: {  	[sflag:s23] =	ssyncset.done $0x0  }
0xa4: {  	s25 =	simm.s32 $0x1B8E;
	s24 =	sld [smem:$0x3FFE];
	[sflag:s23] =	ssyncadd.s32 $0xFFFFFFFF  }
0xa5: {  	s26 =	simm.s32 $execute0_lowered;
	[smem:$0x3FD2] =	sst s25  }
0xa6: {  	s4 =	sshll.u32 s26, $0x1;
	_ =	strace $0x80000046;
	[dreg:$0x1] =	wrdreg $0xFFFFFFFF  }
0xa7: {  	s28 =	simm.s32 $_size_execute0_lowered;
	s2 =	sadd.s32 s2, s4;
	[dreg:$0x0] =	wrdreg $0x0  }
0xa8: {  	s4 =	sshll.u32 s28, $0x1;
	[dreg:$0x2] =	wrdreg s2  }
0xa9: {  	[dreg:$0x3] =	wrdreg s4  }
0xaa: {  	[dreg:$0x4] =	wrdreg $0xC0  }
0xab: {  	_ =	task [dreg:s6], $0x5FFFF  }
0xac: {  	[dreg:$0x1] =	wrdreg $0xFFFFFFFF  }
0xad: {  	[dreg:$0x0] =	wrdreg $0x60  }
0xae: {  	[dreg:$0x2] =	wrdreg s24  }
0xaf: {  	[dreg:$0x3] =	wrdreg $0x2A800  }
0xb0: {  	[dreg:$0x4] =	wrdreg $0x9  }
0xb1: {  	_ =	task.clear_ibuf [dreg:s6], $0x5FFFF;
	_ =	strace $0x90000046  }
0xb2: {  	s29 =	simm.s32 $0x9;
	_ =	strace $0x80000048  }
0xb3: {  	_ =	swait.ge [sflag:s29], $0x1  }
0xb4: {  	[sflag:s29] =	ssyncadd.s32 $0xFFFFFFFF  }
0xb5: {  	_ =	strace $0x90000048  }
0xb6: {  	_ =	sfence  }
0xb7: {  	s30 =	sld [smem:$0x0];
	_ =	sdelay $0x2  }
0xb8: {  	s31 =	sshll.u32 s1, $0xD;
	s1 =	sshrl.u32 s1, $0x2  }
0xb9: {  	s3 =	sand.u32 $0x4000, s31;
	s1 =	sadd.s32 s1, s30  }
0xba: {  	s0 =	sor.u32 s3, s0;
	s1 =	sshll.u32 s1, $0x11  }
0xbb: {  	s0 =	sor.u32 s1, s0  }
0xbc: {  	s0 =	sadd.s32 $0x8F2B, s0  }
0xbd: {  	[sflag:s0] =	ssyncadd.remote.s32 $0x1  }
0xbe: {  	_ =	sfence.sel $0xFFFF  }
0xbf: {  	[dreg:$0x0] =	wrdreg $0xFFFFFFFF;
	(pc) =	sbr.abs _section_cstart, $3  }
0xc0: {  	[dreg:$0x1] =	wrdreg $0xFFFFFFFF  }
0xc1: {  	_ =	task.clear_ibuf [dreg:s6], $0x2FFFF;
	_ =	strace $0x9FFFFFFF  }
0xc2: {  	(tm) =	ssettm $0x7FFFFFFF  }
0xc3: {  	_ =	shalt  }
tec
execute0_lowered:
.L_overlay_start_1:
0x0: {  	(tag) =	ssettag $0x1  }
0x1: {  	s4 =	rddreg [dreg:$0x0];
	s0 =	stileid.u32  }
0x2: {  	s2 =	rddreg [dreg:$0x1];
	s3 =	srdreg.scid  }
0x3: {  	s12 =	simm.s32 $0x400;
	s13 =	simm.s32 $0x2780;
	s14 =	simm.s32 $0x100  }
0x4: {  	s15 =	simm.s32 $0x0;
	s1 =	sshrl.u32 s0, $0x2;
	s26 =	smul.u32 $0x500, s0  }
0x5: {  	s6 =	sshll.u32 s0, $0x8;
	s7 =	sand.u32 $0x1, s3;
	s9 =	smul.u32 $0x280, s0  }
0x6: {  	s3 =	simm.s32 $0x0;
	s5 =	smul.u32 $0x13C00, s1;
	s1 =	rddreg [dreg:$0x2]  }
0x7: {  	s6 =	sand.u32 $0x300, s6;
	s8 =	sshll.u32 s7, $0x7;
	[smem:$0x7FF] =	sst s3  }
0x8: {  	s29 =	ssub.s32 $0x2, s7;
	_ =	strace $0x80000047;
	s5 =	sor.u32 s5, s6  }
0x9: {  	s28 =	sor.u32 s8, s26;
	s30 =	sshrl.u32 s9, $0x3;
	s5 =	sor.u32 s8, s5  }
0xa: {  	s31 =	sshrl.u32 s29, $0x1;
	s7 =	sadd.s32 s30, s4;
	s5 =	sshrl.u32 s5, $0x3  }
0xb: {  	s8 =	ssub.s32 s29, s31;
	s10 =	sadd.s32 s5, s4;
	s5 =	sshrl.u32 s28, $0x3  }
0xc: {  	s8 =	smax.u32 s8, $0x1;
	s11 =	sadd.s32 s5, s4;
	s4 =	sadd.s32 $0x15000, s7  }
0xd: {  	s5 =	sadd.s32 s9, s2;
	s6 =	sadd.s32 $0xB200, s10;
	s9 =	simm.s32 $0x2800  }
0xe: {  	v0 =	vimm.f32 $1.000000000e+00;
	s10 =	simm.s32 $0x1;
	s7 =	sadd.s32 $0x15600, s11;
	s11 =	simm.s32 $0x80  }
.LBB2_1:
0xf: {  	[tilespmem:s9], [sflag:$0x1] =	stream.linear.gather [hbm4b:s4+s3], $0x280, $0x38;
	[tilespmem:$0x2D00] =	vst v63  }
0x10: {  	_ =	swait.ge [sflag:s10], $0x280  }
0x11: {  	[sflag:s10] =	ssyncset.done $0x0  }
0x12: {  	[sflag:s10] =	ssyncadd.s32 $0xFFFFFD80  }
0x13: {  	[spmem:s5] =	stream.linear.scatter [tilespmem:s9], [sflag:$0x1], $0x280, $0x38;
	[tilespmem:$0x2D00] =	vst v63  }
0x14: {  	_ =	swait.ge [sflag:s10], $0x280  }
0x15: {  	[sflag:s10] =	ssyncset.done $0x0  }
0x16: {  	[sflag:s10] =	ssyncadd.s32 $0xFFFFFD80  }
0x17: {  	[tilespmem:$0x2780] =	vst v0  }
0x18: {  	[tilespmem:$0x2790] =	vst v0  }
0x19: {  	[tilespmem:$0x27A0] =	vst v0  }
0x1a: {  	[tilespmem:$0x27B0] =	vst v0  }
0x1b: {  	[tilespmem:$0x27C0] =	vst v0  }
0x1c: {  	[tilespmem:$0x27D0] =	vst v0  }
0x1d: {  	[tilespmem:$0x27E0] =	vst v0  }
0x1e: {  	[tilespmem:$0x27F0] =	vst v0  }
0x1f: {  	[tilespmem:s3], [sflag:$0x1] =	stream.strided.gather [hbm4b:s6+s11], $0x2780, s12, s11, $0x38;
	[tilespmem:$0x2D00] =	vst v63  }
0x20: {  	_ =	swait.ge [sflag:s10], $0x2780  }
0x21: {  	[sflag:s10] =	ssyncset.done $0x0  }
0x22: {  	[sflag:s10] =	ssyncadd.s32 $0xFFFFD880  }
0x23: {  	s16 =	simm.s32 $0x0;
	[bflag:$0x0] =	sbarrier.arrive $0xFFFF  }
0x24: {  	[spmem:s2] =	stream.indirect.scatter.add.f32 [tilespmem:s13], [sflag:$0x1], $0x1, s16, s11, $0xb8;
	[tilespmem:$0x2D00] =	vst v63  }
0x25: {  	_ =	swait.ge [sflag:s10], $0x80  }
0x26: {  	s16 =	simm.s32 $0x200;
	[sflag:s10] =	ssyncset.done $0x0  }
.LBB2_2:
0x27: {  	s17 =	sshra.s32 s16, $0x2;
	[sflag:s10] =	ssyncadd.s32 $0xFFFFFF80;
	p0 =	sne.s32 s16, $0x9C00  }
0x28: {  	[spmem:s2] =	stream.indirect.scatter.add.f32 [tilespmem:s13], [sflag:$0x1], $0x1, s17, s11, $0xb8;
	[tilespmem:$0x2D00] =	vst v63  }
.Ltmp0:
0x29: {  	_ = 	snop;
	(pc) =	sbr.rel @p0 .LBB2_2-.Ltmp0, $4  }
0x2a: {  	_ = 	snop  }
0x2b: {  	s16 =	sadd.s32 $0x200, s16  }
0x2c: {  	_ =	swait.ge [sflag:s10], $0x80  }
0x2d: {  	[sflag:s10] =	ssyncset.done $0x0  }
0x2e: {  	[sflag:s10] =	ssyncadd.s32 $0xFFFFFF80  }
0x2f: {  	[bflag:$0x0] =	sbarrier.arrive $0xFFFF  }
0x30: {  	[tilespmem:s9], [sflag:$0x1] =	stream.linear.gather [spmem:s5], $0x280, $0x38;
	[tilespmem:$0x2D00] =	vst v63  }
0x31: {  	s15 =	sadd.s32 $0x1, s15;
	_ =	swait.ge [sflag:s10], $0x280  }
0x32: {  	p0 =	sne.s32 s15, s8;
	[sflag:s10] =	ssyncset.done $0x0  }
.Ltmp1:
0x33: {  	[sflag:s10] =	ssyncadd.s32 $0xFFFFFD80;
	(pc) =	sbr.rel @p0 .LBB2_1-.Ltmp1, $4  }
0x34: {  	[hbm4b:s7+s11] =	stream.strided.scatter [tilespmem:s9], [sflag:$0x1], $0x280, s14, s11, $0x38;
	[tilespmem:$0x2D00] =	vst v63  }
0x35: {  	_ =	swait.ge [sflag:s10], $0x280  }
0x36: {  	[sflag:s10] =	ssyncset.done $0x0  }
0x37: {  	[sflag:s10] =	ssyncadd.s32 $0xFFFFFD80  }
0x38: {  	_ =	sfence.sel $0x180000  }
0x39: {  	[bflag:$0x0] =	sbarrier.arrive $0xFFFF  }
0x3a: {  	p0 =	sne.s32 s0, $0x0;
	_ =	strace $0x90000047  }
0x3b: {  	s0 =	sadd.s32 @!p0 $0x100000, s1;
	[bflag:$0x2] =	sbarrier.arrive $0xFFFF  }
0x3c: {  	[sflag:s0] =	ssyncadd.tile.s32 @!p0 $0x1;
	_ =	shalt  }
.Lfunc_end2:
_tile_overlayer_lowered:
.L_overlay_start_2:
0x3d: {  	(tag) =	ssettag $0x2  }
0x3e: {  	s0 =	rddreg [dreg:$0x0];
	s2 =	stileid.u32  }
0x3f: {  	s1 =	rddreg [dreg:$0x1];
	p0 =	sne.s32 s2, $0x0  }
0x40: {  	s3 =	rddreg [dreg:$0x2];
	[bflag:$0x3] =	sbarrier.arrive $0xFFFF;
	s2 =	simm.s32 @!p0 $0x1C01  }
0x41: {  	[timem:s3], [sflag:s2] =	dma.local @!p0 [hbm:s0], s1  }
0x42: {  	s0 =	simm.s32 @!p0 $0x1  }
0x43: {  	_ =	swait.ge @!p0 [sflag:s0], s1  }
0x44: {  	s1 =	ssub.s32 @!p0 $0x0, s1;
	[sflag:s0] =	ssyncset.done @!p0 $0x0  }
0x45: {  	[sflag:s0] =	ssyncadd.s32 @!p0 s1  }
0x46: {  	[bflag:$0x3] =	sbarrier.arrive $0xFFFF  }
0x47: {  	_ =	shalt  }

// kernel: kernel.9.cloned.1.call-start
scs
__scs_entry_jumppad:
0x0: {  	(pc) =	sbr.rel $0x88, $3  }
0x1: {  	(tag) =	ssettag $0x0;
	lr =	simm.s32 $0x1  }
0x2: {  	[smem:$0x3F9D] =	sst lr;
	_ =	strace $0xD0000000  }
0x3: {  	_ = 	snop  }
0x4: {  	_ = 	snop  }
0x5: {  	_ = 	snop  }
0x6: {  	_ = 	snop  }
0x7: {  	_ = 	snop  }
__scs_overlays_trampoline_lowered:
0x8: {  	[smem:$0x3FAC] =	sst s0  }
0x9: {  	[smem:$0x3FAD] =	sst s1  }
0xa: {  	[smem:$0x3FAE] =	sst s2  }
0xb: {  	[smem:$0x3FAF] =	sst s3  }
0xc: {  	[smem:$0x3FB0] =	sst s4  }
0xd: {  	[smem:$0x3FB1] =	sst s5  }
0xe: {  	[smem:$0x3FB2] =	sst s6  }
0xf: {  	[smem:$0x3FB3] =	sst s7  }
0x10: {  	[smem:$0x3FB4] =	sst s8  }
0x11: {  	[smem:$0x3FB5] =	sst s9;
	s0 =	simm.s32 @!p0 $0x0  }
0x12: {  	s1 =	sld [smem:$0x3F9B];
	s0 =	simm.s32 @p0 $0x1  }
0x13: {  	[smem:$0x3FB6] =	sst s0;
	s0 =	simm.s32 @!p1 $0x0  }
0x14: {  	s2 =	sld [smem:$0x3F9A];
	s0 =	simm.s32 @p1 $0x1  }
0x15: {  	[smem:$0x3FB7] =	sst s0;
	s0 =	simm.s32 @!p2 $0x0  }
0x16: {  	s3 =	sld [smem:$0x3FDB];
	s0 =	simm.s32 @p2 $0x1  }
0x17: {  	s4 =	simm.s32 $0x1BF5;
	[smem:$0x3FB9] =	sst s0  }
0x18: {  	s0 =	sld [smem:$0x3F9C];
	_ =	swait.ge [sflag:s4], $0x0  }
0x19: {  	s7 =	sld [smem:$0x3F9D]  }
0x1a: {  	s8 =	sadd.s32 $0xFFFFE003, lr  }
0x1b: {  	s9 =	sadd.s32 $0xFFFFFEF7, lr;
	s5 =	simm.s32 $0xFFFFFFFF;
	p2 =	slt.u32 s8, $0xFFFFF086  }
0x1c: {  	p1 =	slt.u32 s9, $0xF7A;
	s5 =	simm.s32 @!p2 $0x0  }
0x1d: {  	s5 =	simm.s32 @p1 $0x1;
	p0 =	seq.s32 s7, s2  }
0x1e: {  	s7 =	smul.u32 @!p0 $0xF7A, s2;
	p2 =	seq.s32 @!p0 s5, $0x0  }
0x1f: {  	s9 =	smul.u32 $0xF7A, s1;
	s8 =	simm.s32 @!p0 $0x1BF5;
	p2 =	por !p2, p0  }
0x20: {  	[sflag:s8] =	ssyncset.s32 @!p0 $0xFFFFF086;
	s6 =	sadd.s32 @!p0 s3, s7;
	s7 =	simm.s32 @!p0 $0x108  }
0x21: {  	s3 =	sadd.s32 s3, s9;
	s6 =	sadd.s32 @!p0 $0x88, s6;
	s7 =	simm.s32 @p2 $0x1082  }
0x22: {  	[simem:s7], [sflag:s8] =	dma.local @!p0 [hbm:s6], $0xF7A  }
0x23: {  	s9 =	sor.u32 $0xD0000000, s2;
	s6 =	simm.s32 $0x108;
	_ =	swait.ge @!p0 [sflag:s8], $0x0  }
0x24: {  	s3 =	sadd.s32 $0x88, s3;
	s6 =	simm.s32 @!p1 $0x1082;
	[sflag:s4] =	ssyncset.s32 $0xFFFFF086  }
0x25: {  	[simem:s6], [sflag:s4] =	dma.local [hbm:s3], $0xF7A  }
0x26: {  	[smem:$0x3F9D] =	sst s1;
	(tag) =	ssettag s2;
	_ =	strace s9  }
0x27: {  	s1 =	sld [smem:$0x3FAD]  }
0x28: {  	s2 =	sld [smem:$0x3FAE]  }
0x29: {  	s4 =	sld [smem:$0x3FB0]  }
0x2a: {  	p0 =	seq.s32 s5, $0x0;
	s5 =	sld [smem:$0x3FB1]  }
0x2b: {  	s6 =	sld [smem:$0x3FB2]  }
0x2c: {  	s7 =	sld [smem:$0x3FB3]  }
0x2d: {  	s3 =	simm.s32 $0x108;
	s8 =	sld [smem:$0x3FB4]  }
0x2e: {  	s3 =	simm.s32 @!p0 $0x1082;
	s9 =	sld [smem:$0x3FB5]  }
0x2f: {  	lr =	sadd.s32 s0, s3;
	s0 =	sld [smem:$0x3FAC]  }
0x30: {  	s3 =	sld [smem:$0x3FAF]  }
0x31: {  	[smem:$0x3FB8] =	sst s10  }
0x32: {  	s10 =	sld [smem:$0x3FB6];
	_ =	sdelay $0x3  }
0x33: {  	p0 =	seq.s32 s10, $0x1;
	s10 =	sld [smem:$0x3FB8];
	_ =	sdelay $0x3  }
0x34: {  	[smem:$0x3FB8] =	sst s10  }
0x35: {  	s10 =	sld [smem:$0x3FB7];
	_ =	sdelay $0x3  }
0x36: {  	p1 =	seq.s32 s10, $0x1;
	s10 =	sld [smem:$0x3FB8];
	_ =	sdelay $0x3  }
0x37: {  	[smem:$0x3FB8] =	sst s10  }
0x38: {  	s10 =	sld [smem:$0x3FB9]  }
0x39: {  	_ = 	snop;
	(pc) =	sbr.ind lr, $3  }
0x3a: {  	_ = 	snop  }
0x3b: {  	_ = 	snop  }
0x3c: {  	p2 =	seq.s32 s10, $0x1;
	s10 =	sld [smem:$0x3FB8]  }
0x3d: {  	_ =	shalt  }
0x3e: {  	_ =	shalt  }
0x3f: {  	_ =	shalt  }
0x40: {  	_ =	shalt  }
0x41: {  	_ =	shalt  }
0x42: {  	_ =	shalt  }
0x43: {  	_ =	shalt  }
0x44: {  	_ =	shalt  }
0x45: {  	_ =	shalt  }
0x46: {  	_ =	shalt  }
0x47: {  	_ =	shalt  }
0x48: {  	_ =	shalt  }
0x49: {  	_ =	shalt  }
0x4a: {  	_ =	shalt  }
0x4b: {  	_ =	shalt  }
0x4c: {  	_ =	shalt  }
0x4d: {  	_ =	shalt  }
0x4e: {  	_ =	shalt  }
0x4f: {  	_ =	shalt  }
0x50: {  	_ =	shalt  }
0x51: {  	_ =	shalt  }
0x52: {  	_ =	shalt  }
0x53: {  	_ =	shalt  }
0x54: {  	_ =	shalt  }
0x55: {  	_ =	shalt  }
0x56: {  	_ =	shalt  }
0x57: {  	_ =	shalt  }
0x58: {  	_ =	shalt  }
0x59: {  	_ =	shalt  }
0x5a: {  	_ =	shalt  }
0x5b: {  	_ =	shalt  }
0x5c: {  	_ =	shalt  }
0x5d: {  	_ =	shalt  }
0x5e: {  	_ =	shalt  }
0x5f: {  	_ =	shalt  }
0x60: {  	_ =	shalt  }
0x61: {  	_ =	shalt  }
0x62: {  	_ =	shalt  }
0x63: {  	_ =	shalt  }
0x64: {  	_ =	shalt  }
0x65: {  	_ =	shalt  }
0x66: {  	_ =	shalt  }
0x67: {  	_ =	shalt  }
0x68: {  	_ =	shalt  }
0x69: {  	_ =	shalt  }
0x6a: {  	_ =	shalt  }
0x6b: {  	_ =	shalt  }
0x6c: {  	_ =	shalt  }
0x6d: {  	_ =	shalt  }
0x6e: {  	_ =	shalt  }
0x6f: {  	_ =	shalt  }
0x70: {  	_ =	shalt  }
0x71: {  	_ =	shalt  }
0x72: {  	_ =	shalt  }
0x73: {  	_ =	shalt  }
0x74: {  	_ =	shalt  }
0x75: {  	_ =	shalt  }
0x76: {  	_ =	shalt  }
0x77: {  	_ =	shalt  }
0x78: {  	_ =	shalt  }
0x79: {  	_ =	shalt  }
0x7a: {  	_ =	shalt  }
0x7b: {  	_ =	shalt  }
0x7c: {  	_ =	shalt  }
0x7d: {  	_ =	shalt  }
0x7e: {  	_ =	shalt  }
0x7f: {  	_ =	shalt  }
0x80: {  	_ =	shalt  }
0x81: {  	_ =	shalt  }
0x82: {  	_ =	shalt  }
0x83: {  	_ =	shalt  }
0x84: {  	_ =	shalt  }
0x85: {  	_ =	shalt  }
0x86: {  	_ =	shalt  }
0x87: {  	_ =	shalt  }
.Lfunc_end0:
.L_simem_size_0:
called_computation.1_lowered:
.L_overlay_start_0:
0x88: {  	s2 =	sld [smem:$0x3FD9]  }
0x89: {  	s3 =	sld [smem:$0x3FFE];
	_ =	sdelay $0x1  }
0x8a: {  	s1 =	srdreg.scid  }
0x8b: {  	s0 =	sand.u32 $0x1, s1  }
0x8c: {  	s17 =	sshll.u32 s0, $0xA;
	s2 =	sadd.s32 s3, s2  }
0x8d: {  	s2 =	sadd.s32 s2, s17  }
0x8e: {  	[smem:$0x3FC4] =	sst s2  }
0x8f: {  	_ = 	snop  }
0x90: {  	s2 =	sld [smem:$0x3FD0];
	(tm) =	ssettm $0x1  }
0x91: {  	s18 =	sld [smem:$0x3FFB];
	_ =	sdelay $0x3  }
0x92: {  	_ =	strace s18  }
0x93: {  	s3 =	sld [smem:$0x3FFC];
	_ =	sdelay $0x3  }
0x94: {  	_ =	strace s3  }
0x95: {  	s3 =	sld [smem:$0x3FFD];
	_ =	sdelay $0x3  }
0x96: {  	_ =	strace s3  }
0x97: {  	_ =	strace $0x8FFFFFFF  }
0x98: {  	s19 =	sld [smem:$0x3FDB];
	_ =	sdelay $0x1  }
0x99: {  	s4 =	simm.s32 $_scs_section_size  }
0x9a: {  	s5 =	simm.s32 $_size__tile_overlayer_lowered;
	s6 =	simm.s32 $_tile_overlayer_lowered  }
0x9b: {  	s22 =	simm.s32 $0x1BFF;
	s21 =	sshll.u32 s6, $0x1;
	s3 =	sadd.s32 s4, s19  }
0x9c: {  	s7 =	simm.s32 $0x0;
	s20 =	sshll.u32 s5, $0x1;
	s5 =	sadd.s32 s21, s3  }
0x9d: {  	[timem:s7], [sflag:s22] =	dma.local [hbm:s5], s20  }
0x9e: {  	_ =	swait.ge [sflag:s22], s20  }
0x9f: {  	s4 =	ssub.s32 $0x0, s20;
	[sflag:s22] =	ssyncset.done $0x0  }
0xa0: {  	[sflag:s22] =	ssyncadd.s32 s4;
	_ =	sdelay $0x1  }
0xa1: {  	s23 =	simm.s32 $0x1B8B  }
0xa2: {  	_ =	swait.ge [sflag:s23], $0x1  }
0xa3: {  	[sflag:s23] =	ssyncset.done $0x0  }
0xa4: {  	s25 =	simm.s32 $0x1B8E;
	s24 =	sld [smem:$0x3FFE];
	[sflag:s23] =	ssyncadd.s32 $0xFFFFFFFF  }
0xa5: {  	s26 =	simm.s32 $execute0_lowered;
	[smem:$0x3FD2] =	sst s25  }
0xa6: {  	s5 =	sshll.u32 s26, $0x1;
	_ =	strace $0x80000049;
	[dreg:$0x1] =	wrdreg $0xFFFFFFFF  }
0xa7: {  	s28 =	simm.s32 $_size_execute0_lowered;
	s3 =	sadd.s32 s3, s5;
	[dreg:$0x0] =	wrdreg $0x0  }
0xa8: {  	s5 =	sshll.u32 s28, $0x1;
	[dreg:$0x2] =	wrdreg s3  }
0xa9: {  	[dreg:$0x3] =	wrdreg s5  }
0xaa: {  	[dreg:$0x4] =	wrdreg $0xC0  }
0xab: {  	_ =	task [dreg:s7], $0x5FFFF  }
0xac: {  	[dreg:$0x1] =	wrdreg $0xFFFFFFFF  }
0xad: {  	[dreg:$0x0] =	wrdreg $0x60  }
0xae: {  	[dreg:$0x2] =	wrdreg s2  }
0xaf: {  	[dreg:$0x3] =	wrdreg s24  }
0xb0: {  	[dreg:$0x4] =	wrdreg $0xA0000  }
0xb1: {  	[dreg:$0x5] =	wrdreg $0x9  }
0xb2: {  	_ =	task.clear_ibuf [dreg:s7], $0x6FFFF;
	_ =	strace $0x90000049  }
0xb3: {  	s29 =	simm.s32 $0x9;
	_ =	strace $0x8000004B  }
0xb4: {  	_ =	swait.ge [sflag:s29], $0x1  }
0xb5: {  	[sflag:s29] =	ssyncadd.s32 $0xFFFFFFFF  }
0xb6: {  	_ =	strace $0x9000004B  }
0xb7: {  	_ =	sfence  }
0xb8: {  	s30 =	sld [smem:$0x0];
	_ =	sdelay $0x2  }
0xb9: {  	s31 =	sshll.u32 s1, $0xD;
	s1 =	sshrl.u32 s1, $0x2  }
0xba: {  	s3 =	sand.u32 $0x4000, s31;
	s1 =	sadd.s32 s1, s30  }
0xbb: {  	s0 =	sor.u32 s3, s0;
	s1 =	sshll.u32 s1, $0x11  }
0xbc: {  	s0 =	sor.u32 s1, s0  }
0xbd: {  	s0 =	sadd.s32 $0x8F2B, s0  }
0xbe: {  	[sflag:s0] =	ssyncadd.remote.s32 $0x1  }
0xbf: {  	_ =	sfence.sel $0xFFFF  }
0xc0: {  	[dreg:$0x0] =	wrdreg $0xFFFFFFFF;
	(pc) =	sbr.abs _section_cstart, $3  }
0xc1: {  	[dreg:$0x1] =	wrdreg $0xFFFFFFFF  }
0xc2: {  	_ =	task.clear_ibuf [dreg:s7], $0x2FFFF;
	_ =	strace $0x9FFFFFFF  }
0xc3: {  	(tm) =	ssettm $0x7FFFFFFF  }
tec
execute0_lowered:
.L_overlay_start_1:
0x0: {  	(tag) =	ssettag $0x1  }
0x1: {  	s9 =	rddreg [dreg:$0x0]  }
0x2: {  	s6 =	rddreg [dreg:$0x1]  }
0x3: {  	s0 =	srdreg.scid;
	s1 =	rddreg [dreg:$0x2];
	s4 =	simm.s32 $0x3000  }
0x4: {  	s2 =	rddreg [dreg:$0x3];
	s3 =	simm.s32 $0x0;
	s7 =	sand.u32 $0x1, s0  }
0x5: {  	s17 =	simm.s32 $0x0;
	s0 =	stileid.u32;
	s5 =	smul.u32 $0x30000, s7  }
0x6: {  	[smem:$0x7FF] =	sst s3;
	p0 =	seq.s32 s7, $0x0;
	s8 =	smul.u32 $0x14000, s0  }
0x7: {  	_ =	strace $0x8000004A;
	s11 =	smul.u32 $0x140000, s7;
	s7 =	ssub.s32 $0x2, s7  }
0x8: {  	s14 =	smul.u32 $0x50000, s0;
	s31 =	sshll.u32 s0, $0x6;
	s4 =	simm.s32 @!p0 $0x1F00  }
0x9: {  	s29 =	sshrl.u32 s7, $0x1;
	s4 =	smul.u32 s0, s4;
	s13 =	sshrl.u32 s8, $0x3  }
0xa: {  	s8 =	sadd.s32 s8, s11;
	s16 =	ssub.s32 s7, s29;
	s30 =	sshrl.u32 s14, $0x2  }
0xb: {  	s13 =	sadd.s32 s13, s6;
	s8 =	sshrl.u32 s8, $0x3;
	s14 =	sadd.s32 s30, s1  }
0xc: {  	s5 =	sadd.s32 s5, s4;
	s4 =	simm.s32 $0x3000;
	s15 =	sadd.s32 s8, s6  }
0xd: {  	s7 =	sadd.s32 $0x33200, s13;
	s8 =	sor.u32 $0x1C01, s31;
	s13 =	sshrl.u32 s14, $0x3  }
0xe: {  	s14 =	simm.s32 $0x1;
	s10 =	sshrl.u32 s5, $0x3;
	s5 =	sadd.s32 $0xB200, s6  }
0xf: {  	s11 =	sadd.s32 $0x5B200, s15;
	s12 =	sadd.s32 s10, s6;
	s6 =	simm.s32 $0x60  }
0x10: {  	s15 =	simm.s32 $0x80;
	s9 =	sadd.s32 s9, s10;
	s6 =	simm.s32 @!p0 $0x3E  }
0x11: {  	s10 =	sadd.s32 $0x1400, s12;
	s12 =	smax.u32 s16, $0x1;
	s16 =	simm.s32 $0x6000  }
.LBB2_1:
0x12: {  	[spmem:s13], [sflag:s8] =	dma.local [hbm:s7], $0x2800  }
0x13: {  	_ =	swait.ge [sflag:s14], $0x2800  }
0x14: {  	[sflag:s14] =	ssyncset.done $0x0  }
0x15: {  	[sflag:s14] =	ssyncadd.s32 $0xFFFFD800  }
0x16: {  	[tilespmem:s3], [sflag:$0x1] =	stream.linear.gather [hbm4b:s9+s3], $0x3000, $0x38;
	[tilespmem:$0x1E000] =	vst v63  }
0x17: {  	_ =	swait.ge [sflag:s14], $0x3000  }
0x18: {  	[sflag:s14] =	ssyncset.done $0x0  }
0x19: {  	[sflag:s14] =	ssyncadd.s32 $0xFFFFD000  }
0x1a: {  	[tilespmem:s4], [sflag:$0x1] =	stream.linear.gather [hbm4b:s10+s3], $0x3000, $0x38;
	[tilespmem:$0x1E000] =	vst v63  }
0x1b: {  	_ =	swait.ge [sflag:s14], $0x3000  }
0x1c: {  	[sflag:s14] =	ssyncset.done $0x0  }
0x1d: {  	[sflag:s14] =	ssyncadd.s32 $0xFFFFD000  }
0x1e: {  	[bflag:$0x0] =	sbarrier.arrive $0xFFFF  }
0x1f: {  	[tilespmem:s16], [sflag:$0x1] =	stream.indirect.gather [hbm4b:s5+s15], $0x80, s3, s15, $0xb8;
	[tilespmem:$0x1E000] =	vst v63  }
0x20: {  	p0 =	sne.s32 s6, $0x1;
	_ =	swait.ge [sflag:s14], $0x4000  }
.Ltmp0:
0x21: {  	[sflag:s14] =	ssyncset.done $0x0;
	(pc) =	sbr.rel @!p0 .LBB2_3-.Ltmp0, $4  }
0x22: {  	[sflag:s14] =	ssyncadd.s32 $0xFFFFC000  }
0x23: {  	[spmem:s1] =	stream.indirect.scatter.add.f32 [tilespmem:s16], [sflag:$0x1], $0x80, s4, s15, $0xb8;
	[tilespmem:$0x1E000] =	vst v63  }
0x24: {  	s18 =	sadd.s32 $0xFFFFFFFF, s6;
	_ =	swait.ge [sflag:s14], $0x4000  }
0x25: {  	s19 =	simm.s32 $0x0;
	s20 =	simm.s32 $0x3000;
	[sflag:s14] =	ssyncset.done $0x0  }
.LBB2_2:
0x26: {  	[sflag:s14] =	ssyncadd.s32 $0xFFFFC000;
	s19 =	sadd.s32 $0x80, s19;
	s20 =	sadd.s32 $0x80, s20  }
0x27: {  	[tilespmem:s16], [sflag:$0x1] =	stream.indirect.gather [hbm4b:s5+s15], $0x80, s19, s15, $0xb8;
	[tilespmem:$0x1E000] =	vst v63  }
0x28: {  	p0 =	sne.s32 s18, $0x1;
	s18 =	sadd.s32 $0xFFFFFFFF, s18;
	_ =	swait.ge [sflag:s14], $0x4000  }
.Ltmp1:
0x29: {  	[sflag:s14] =	ssyncset.done $0x0;
	(pc) =	sbr.rel @p0 .LBB2_2-.Ltmp1, $4  }
0x2a: {  	[sflag:s14] =	ssyncadd.s32 $0xFFFFC000  }
0x2b: {  	[spmem:s1] =	stream.indirect.scatter.add.f32 [tilespmem:s16], [sflag:$0x1], $0x80, s20, s15, $0xb8;
	[tilespmem:$0x1E000] =	vst v63  }
0x2c: {  	_ =	swait.ge [sflag:s14], $0x4000  }
0x2d: {  	[sflag:s14] =	ssyncset.done $0x0  }
.LBB2_3:
0x2e: {  	s17 =	sadd.s32 $0x1, s17  }
0x2f: {  	[sflag:s14] =	ssyncadd.s32 $0xFFFFC000;
	p0 =	sne.s32 s17, s12  }
.Ltmp2:
0x30: {  	[bflag:$0x0] =	sbarrier.arrive $0xFFFF;
	(pc) =	sbr.rel @p0 .LBB2_1-.Ltmp2, $4  }
0x31: {  	[hbm:s11], [sflag:s8] =	dma.local [spmem:s13], $0x2800  }
0x32: {  	_ =	swait.ge [sflag:s14], $0x2800  }
0x33: {  	[sflag:s14] =	ssyncset.done $0x0  }
0x34: {  	[sflag:s14] =	ssyncadd.s32 $0xFFFFD800  }
0x35: {  	_ =	sfence.sel $0x180000  }
0x36: {  	[bflag:$0x0] =	sbarrier.arrive $0xFFFF  }
0x37: {  	p0 =	sne.s32 s0, $0x0;
	_ =	strace $0x9000004A  }
0x38: {  	s0 =	sadd.s32 @!p0 $0x100000, s2;
	[bflag:$0x2] =	sbarrier.arrive $0xFFFF  }
0x39: {  	[sflag:s0] =	ssyncadd.tile.s32 @!p0 $0x1;
	_ =	shalt  }
.Lfunc_end2:
_tile_overlayer_lowered:
.L_overlay_start_2:
0x3a: {  	(tag) =	ssettag $0x2  }
0x3b: {  	s0 =	rddreg [dreg:$0x0];
	s2 =	stileid.u32  }
0x3c: {  	s1 =	rddreg [dreg:$0x1];
	p0 =	sne.s32 s2, $0x0  }
0x3d: {  	s3 =	rddreg [dreg:$0x2];
	[bflag:$0x3] =	sbarrier.arrive $0xFFFF;
	s2 =	simm.s32 @!p0 $0x1C01  }
0x3e: {  	[timem:s3], [sflag:s2] =	dma.local @!p0 [hbm:s0], s1  }
0x3f: {  	s0 =	simm.s32 @!p0 $0x1  }
0x40: {  	_ =	swait.ge @!p0 [sflag:s0], s1  }
0x41: {  	s1 =	ssub.s32 @!p0 $0x0, s1;
	[sflag:s0] =	ssyncset.done @!p0 $0x0  }
0x42: {  	[sflag:s0] =	ssyncadd.s32 @!p0 s1  }
0x43: {  	[bflag:$0x3] =	sbarrier.arrive $0xFFFF  }
0x44: {  	_ =	shalt  }

</sc_bundles>
